<compile_context>
chip_gen: v7x
topology: tpu7x:2x2x1
jax: 0.10.2.dev20260603
libtpu: 0.0.44.dev20260713+nightly
codegen_flags: <defaults>
</compile_context>

<pallas_src>
import functools

import jax
import jax.numpy as jnp
from jax import lax
from jax.experimental import pallas as pl
from jax.experimental.pallas import tpu as pltpu
from jax.experimental.pallas import tpu_sc as plsc

B = 16
L = 2048
P = 2048
D = 1024
PBLK = 512
NBLK = P // PBLK

_INFO = plsc.get_sparse_core_info()
_NC, _NS = _INFO.num_cores, _INFO.num_subcores


@functools.partial(
    pl.kernel,
    mesh=plsc.VectorSubcoreMesh(core_axis_name="c", subcore_axis_name="s"),
    out_type=jax.ShapeDtypeStruct((B, P + L), jnp.int32),
)
def _sc_ids(pids_hbm, inp_hbm, out_hbm):
    wid = lax.axis_index("s") * _NC + lax.axis_index("c")
    b = wid // 2
    half = wid % 2

    @pl.when(half == 0)
    def _prompt():
        pltpu.sync_copy(pids_hbm, out_hbm.at[b, pl.ds(0, P)])

    @pl.when(half == 1)
    def _user():
        pltpu.sync_copy(inp_hbm.at[b], out_hbm.at[b, pl.ds(P, L)])


def _kernel_body(pids_ref, w_ref, emb_out_ref,
                 g_ref, sem0, sem1, sem2, sem3):
    sems = (sem0, sem1, sem2, sem3)
    pending = []
    for j in range(NBLK):
        base = j * PBLK
        idsblk = pids_ref[0:1, base:base + PBLK]
        rows = jax.lax.broadcasted_iota(jnp.int32, (P, PBLK), 0)
        onehot_t = (rows == idsblk).astype(jnp.float32)
        g = jax.lax.dot_general(
            onehot_t, w_ref[...], (((0,), (0,)), ((), ())),
            preferred_element_type=jnp.float32,
        )
        hit = jax.lax.dot_general(
            onehot_t, jnp.ones((P, 1), jnp.float32), (((0,), (0,)), ((), ())),
            preferred_element_type=jnp.float32,
        )
        g_ref[base:base + PBLK, :] = jnp.where(hit > 0.5, g, jnp.float32(jnp.nan))
        fired = []
        for b in range(B):
            c = pltpu.make_async_copy(
                g_ref.at[pl.ds(base, PBLK), :],
                emb_out_ref.at[b, pl.ds(base, PBLK), :],
                sems[b % 4],
            )
            c.start()
            fired.append(c)
        pending.append(fired)
        if len(pending) > 2:
            for c in pending.pop(0):
                c.wait()
    for fired in pending:
        for c in fired:
            c.wait()


@functools.partial(jax.jit)
def kernel(input_ids, prompt_ids, embed_weight):
    ids_out = _sc_ids(prompt_ids, input_ids)
    pids2 = prompt_ids.reshape(1, P)
    emb_out = pl.pallas_call(
        _kernel_body,
        in_specs=[
            pl.BlockSpec(memory_space=pltpu.MemorySpace.VMEM),
            pl.BlockSpec(memory_space=pltpu.MemorySpace.VMEM),
        ],
        out_specs=pl.BlockSpec(memory_space=pl.ANY),
        out_shape=jax.ShapeDtypeStruct((B, P, D), jnp.float32),
        scratch_shapes=[
            pltpu.VMEM((P, D), jnp.float32),
            pltpu.SemaphoreType.DMA,
            pltpu.SemaphoreType.DMA,
            pltpu.SemaphoreType.DMA,
            pltpu.SemaphoreType.DMA,
        ],
    )(pids2, embed_weight)
    return ids_out, emb_out

# --- scband reference (transcript-rebuilt; emitter-appended) ---
"""Pipeline reference for scband-prompt-bank-11931419148919 (READ-ONLY COPY).

The authoritative reference and input builder live on the scoring server;
editing this copy changes nothing except your own understanding.
"""

import jax, jax.numpy as jnp
import numpy as np

B = 16       # batch size
L = 2048     # user input sequence length
P = 2048     # baked prompt length (len(token_ids) after tokenizing manifest)
D = 1024     # embed_dim
VOCAB = 32000


def setup_inputs(seed: int = 0) -> dict:
    key = jax.random.key(seed)
    k1, k2, k3 = jax.random.split(key, 3)
    # batch of user input ids (randint fill, values < VOCAB)
    input_ids = jax.random.randint(k1, (B, L), 0, VOCAB, dtype=jnp.int32)
    # frozen buffer: token ids of the json-serialized manifest (synthesized here)
    prompt_ids = jax.random.randint(k2, (P,), 0, VOCAB, dtype=jnp.int32)
    # frozen nn.Embedding(P, D) weight, init normal(std=0.02)
    embed_weight = jax.random.normal(k3, (P, D), dtype=jnp.float32) * 0.02
    return {"input_ids": input_ids, "prompt_ids": prompt_ids, "embed_weight": embed_weight}


def reference(input_ids, prompt_ids, embed_weight):
    # PromptBank.prepend: repeat prompt ids across the batch and concat in front
    bsz = input_ids.shape[0]
    prompt_batch = jnp.broadcast_to(prompt_ids[None, :], (bsz, prompt_ids.shape[0]))
    prepended_ids = jnp.concatenate([prompt_batch, input_ids], axis=1)
    # embedding lookup of the baked prompt tokens from the frozen bank
    # (embedding table only covers the P prompt positions, as in the module)
    prompt_embeds = jnp.take(embed_weight, prompt_batch, axis=0)
    return prepended_ids, prompt_embeds

if __name__ == "__main__":
    import jax
    _d = setup_inputs()
    print(jax.jit(kernel)(*tuple(_d.values())))

</pallas_src>

<mosaic_0001>
#map = affine_map<(d0, d1) -> (0)>
#map1 = affine_map<(d0, d1) -> (0, 0)>
module attributes {stable_mosaic.version = 14 : i64} {
  func.func @_sc_ids(%arg0: i32, %arg1: i32, %arg2: memref<2048xi32, #tpu.memory_space<hbm>>, %arg3: memref<16x2048xi32, #tpu.memory_space<hbm>>, %arg4: memref<16x4096xi32, #tpu.memory_space<hbm>>) attributes {dimension_semantics = [#tpu.dimension_semantics<core_parallel>, #tpu.dimension_semantics<subcore_parallel>], iteration_bounds = array<i64: 2, 16>, scalar_prefetch = 0 : i64, scratch_operands = 0 : i64, tpu.core_type = #tpu.core_type<sc_vector_subcore>, window_params = [{transform_indices = #map}, {transform_indices = #map1}, {transform_indices = #map1}]} {
    %mul3A = arith.constant 2 : i32
    %mul3A_0 = arith.muli %arg1, %mul3A : i32
    %add3A = arith.addi %mul3A_0, %arg0 : i32
    %jit3A = arith.constant 2 : i32
    %div3A = arith.divsi %add3A, %jit3A : i32
    %sign3A = arith.constant 0 : i32
    %sign3A_1 = arith.cmpi sgt, %add3A, %sign3A : i32
    %sign3A_2 = arith.extui %sign3A_1 : i1 to i32
    %sign3A_3 = arith.constant 0 : i32
    %sign3A_4 = arith.cmpi slt, %add3A, %sign3A_3 : i32
    %sign3A_5 = arith.extui %sign3A_4 : i1 to i32
    %sign3A_6 = arith.subi %sign3A_2, %sign3A_5 : i32
    %sign3A_7 = arith.constant 0 : i32
    %sign3A_8 = arith.cmpi sgt, %jit3A, %sign3A_7 : i32
    %sign3A_9 = arith.extui %sign3A_8 : i1 to i32
    %sign3A_10 = arith.constant 0 : i32
    %sign3A_11 = arith.cmpi slt, %jit3A, %sign3A_10 : i32
    %sign3A_12 = arith.extui %sign3A_11 : i1 to i32
    %sign3A_13 = arith.subi %sign3A_9, %sign3A_12 : i32
    %ne3A = arith.cmpi ne, %sign3A_6, %sign3A_13 : i32
    %rem3A = arith.remsi %add3A, %jit3A : i32
    %ne3A_14 = arith.constant 0 : i32
    %ne3A_15 = arith.cmpi ne, %rem3A, %ne3A_14 : i32
    %and3A = arith.andi %ne3A, %ne3A_15 : i1
    %sub3A = arith.constant 1 : i32
    %sub3A_16 = arith.subi %div3A, %sub3A : i32
    %select_n3A = arith.select %and3A, %sub3A_16, %div3A : i32
    %jit3A_17 = arith.constant 2 : i32
    %eq3A = arith.constant 0 : i32
    %eq3A_18 = arith.cmpi eq, %jit3A_17, %eq3A : i32
    %jit3A_19 = arith.constant 1 : i32
    %select_n3A_20 = arith.select %eq3A_18, %jit3A_19, %jit3A_17 : i32
    %rem3A_21 = arith.remsi %add3A, %select_n3A_20 : i32
    %ne3A_22 = arith.constant 0 : i32
    %ne3A_23 = arith.cmpi ne, %rem3A_21, %ne3A_22 : i32
    %lt3A = arith.constant 0 : i32
    %lt3A_24 = arith.cmpi slt, %rem3A_21, %lt3A : i32
    %lt3A_25 = arith.constant 0 : i32
    %lt3A_26 = arith.cmpi slt, %select_n3A_20, %lt3A_25 : i32
    %ne3A_27 = arith.xori %lt3A_24, %lt3A_26 : i1
    %and3A_28 = arith.andi %ne3A_27, %ne3A_23 : i1
    %add3A_29 = arith.addi %rem3A_21, %select_n3A_20 : i32
    %select_n3A_30 = arith.select %and3A_28, %add3A_29, %rem3A_21 : i32
    %eq3A_31 = arith.constant 0 : i32
    %eq3A_32 = arith.cmpi eq, %select_n3A_30, %eq3A_31 : i32
    %convert_element_type3A = arith.extui %eq3A_32 : i1 to i32
    %cond3A = arith.constant 0 : i32
    %cond3A_33 = arith.cmpi ne, %convert_element_type3A, %cond3A : i32
    scf.if %cond3A_33 {
      "tpu.region"() ({
        %run_scoped3A = tpu.sem_alloc : memref<!tpu.dma_semaphore, #tpu.memory_space<semaphore_mem>>
        %dma_start3A = arith.constant 0 : i32
        %dma_start3A_39 = tpu.memref_slice %arg4[%select_n3A, %dma_start3A] : memref<16x4096xi32, #tpu.memory_space<hbm>> -> memref<1x2048xi32, #tpu.memory_space<hbm>>
        %dma_start3A_40 = tpu.memref_squeeze %dma_start3A_39 : memref<1x2048xi32, #tpu.memory_space<hbm>> -> memref<2048xi32, #tpu.memory_space<hbm>>
        tpu.enqueue_dma source(%arg2 : memref<2048xi32, #tpu.memory_space<hbm>>) target(%dma_start3A_40 : memref<2048xi32, #tpu.memory_space<hbm>>) target_semaphore(%run_scoped3A : memref<!tpu.dma_semaphore, #tpu.memory_space<semaphore_mem>>)
        %dma_wait3A = arith.constant 0 : i32
        %dma_wait3A_41 = tpu.memref_slice %arg4[%select_n3A, %dma_wait3A] : memref<16x4096xi32, #tpu.memory_space<hbm>> -> memref<1x2048xi32, #tpu.memory_space<hbm>>
        %dma_wait3A_42 = tpu.memref_squeeze %dma_wait3A_41 : memref<1x2048xi32, #tpu.memory_space<hbm>> -> memref<2048xi32, #tpu.memory_space<hbm>>
        tpu.wait_dma2 semaphore(%run_scoped3A : memref<!tpu.dma_semaphore, #tpu.memory_space<semaphore_mem>>) src(%arg2 : memref<2048xi32, #tpu.memory_space<hbm>>) dst(%dma_wait3A_42 : memref<2048xi32, #tpu.memory_space<hbm>>)
        tpu.yield
      }) : () -> ()
    } else {
    }
    %eq3A_34 = arith.constant 1 : i32
    %eq3A_35 = arith.cmpi eq, %select_n3A_30, %eq3A_34 : i32
    %convert_element_type3A_36 = arith.extui %eq3A_35 : i1 to i32
    %cond3A_37 = arith.constant 0 : i32
    %cond3A_38 = arith.cmpi ne, %convert_element_type3A_36, %cond3A_37 : i32
    scf.if %cond3A_38 {
      "tpu.region"() ({
        %run_scoped3A = tpu.sem_alloc : memref<!tpu.dma_semaphore, #tpu.memory_space<semaphore_mem>>
        %dma_start3A = arith.constant 2048 : i32
        %dma_start3A_39 = tpu.memref_slice %arg4[%select_n3A, %dma_start3A] : memref<16x4096xi32, #tpu.memory_space<hbm>> -> memref<1x2048xi32, #tpu.memory_space<hbm>>
        %dma_start3A_40 = tpu.memref_squeeze %dma_start3A_39 : memref<1x2048xi32, #tpu.memory_space<hbm>> -> memref<2048xi32, #tpu.memory_space<hbm>>
        %dma_start3A_41 = arith.constant 0 : i32
        %dma_start3A_42 = tpu.memref_slice %arg3[%select_n3A, %dma_start3A_41] : memref<16x2048xi32, #tpu.memory_space<hbm>> -> memref<1x2048xi32, #tpu.memory_space<hbm>>
        %dma_start3A_43 = tpu.memref_squeeze %dma_start3A_42 : memref<1x2048xi32, #tpu.memory_space<hbm>> -> memref<2048xi32, #tpu.memory_space<hbm>>
        tpu.enqueue_dma source(%dma_start3A_43 : memref<2048xi32, #tpu.memory_space<hbm>>) target(%dma_start3A_40 : memref<2048xi32, #tpu.memory_space<hbm>>) target_semaphore(%run_scoped3A : memref<!tpu.dma_semaphore, #tpu.memory_space<semaphore_mem>>)
        %dma_wait3A = arith.constant 2048 : i32
        %dma_wait3A_44 = tpu.memref_slice %arg4[%select_n3A, %dma_wait3A] : memref<16x4096xi32, #tpu.memory_space<hbm>> -> memref<1x2048xi32, #tpu.memory_space<hbm>>
        %dma_wait3A_45 = tpu.memref_squeeze %dma_wait3A_44 : memref<1x2048xi32, #tpu.memory_space<hbm>> -> memref<2048xi32, #tpu.memory_space<hbm>>
        %dma_wait3A_46 = arith.constant 0 : i32
        %dma_wait3A_47 = tpu.memref_slice %arg3[%select_n3A, %dma_wait3A_46] : memref<16x2048xi32, #tpu.memory_space<hbm>> -> memref<1x2048xi32, #tpu.memory_space<hbm>>
        %dma_wait3A_48 = tpu.memref_squeeze %dma_wait3A_47 : memref<1x2048xi32, #tpu.memory_space<hbm>> -> memref<2048xi32, #tpu.memory_space<hbm>>
        tpu.wait_dma2 semaphore(%run_scoped3A : memref<!tpu.dma_semaphore, #tpu.memory_space<semaphore_mem>>) src(%dma_wait3A_48 : memref<2048xi32, #tpu.memory_space<hbm>>) dst(%dma_wait3A_45 : memref<2048xi32, #tpu.memory_space<hbm>>)
        tpu.yield
      }) : () -> ()
    } else {
    }
    return
  }
}

module attributes {stable_mosaic.version = 14 : i64} {
  func.func @_kernel_body(%arg0: memref<1x2048xi32, #tpu.memory_space<vmem>>, %arg1: memref<2048x1024xf32, #tpu.memory_space<vmem>>, %arg2: memref<16x2048x1024xf32, #tpu.memory_space<any>>, %arg3: memref<2048x1024xf32, #tpu.memory_space<vmem>>, %arg4: memref<!tpu.dma_semaphore, #tpu.memory_space<semaphore_mem>>, %arg5: memref<!tpu.dma_semaphore, #tpu.memory_space<semaphore_mem>>, %arg6: memref<!tpu.dma_semaphore, #tpu.memory_space<semaphore_mem>>, %arg7: memref<!tpu.dma_semaphore, #tpu.memory_space<semaphore_mem>>) attributes {dimension_semantics = [], scalar_prefetch = 0 : i64, scratch_operands = 5 : i64, tpu.core_type = #tpu.core_type<tc>} {
    %get3A = arith.constant 0 : index
    %get3A_0 = arith.constant 0 : index
    %get3A_1 = vector.load %arg0[%get3A, %get3A_0] : memref<1x2048xi32, #tpu.memory_space<vmem>>, vector<1x512xi32>
    %iota3A = tpu.iota {dimensions = array<i32: 0>} : vector<2048x512xi32>
    %eq3A = vector.broadcast %get3A_1 : vector<1x512xi32> to vector<2048x512xi32>
    %eq3A_2 = arith.cmpi eq, %iota3A, %eq3A : vector<2048x512xi32>
    %convert_element_type3A = arith.extui %eq3A_2 : vector<2048x512xi1> to vector<2048x512xi32>
    %convert_element_type3A_3 = arith.sitofp %convert_element_type3A : vector<2048x512xi32> to vector<2048x512xf32>
    %get3A_4 = arith.constant 0 : index
    %get3A_5 = arith.constant 0 : index
    %get3A_6 = vector.load %arg1[%get3A_4, %get3A_5] : memref<2048x1024xf32, #tpu.memory_space<vmem>>, vector<2048x1024xf32>
    %dot_general3A = arith.constant dense<0.000000e+00> : vector<512x1024xf32>
    %dot_general3A_7 = tpu.matmul %convert_element_type3A_3, %get3A_6, %dot_general3A {dimension_numbers = #tpu.dot_dimension_numbers<[0], [0], [1], [1], [0, 1, 1, 1], [], []>, transpose_lhs_hint = false} : vector<2048x512xf32>, vector<2048x1024xf32>, vector<512x1024xf32> -> vector<512x1024xf32>
    %broadcast_in_dim3A = arith.constant 1.000000e+00 : f32
    %broadcast_in_dim3A_8 = vector.broadcast %broadcast_in_dim3A : f32 to vector<2048x1xf32>
    %dot_general3A_9 = arith.constant dense<0.000000e+00> : vector<512x1xf32>
    %dot_general3A_10 = tpu.matmul %convert_element_type3A_3, %broadcast_in_dim3A_8, %dot_general3A_9 {dimension_numbers = #tpu.dot_dimension_numbers<[0], [0], [1], [1], [0, 1, 1, 1], [], []>, transpose_lhs_hint = false} : vector<2048x512xf32>, vector<2048x1xf32>, vector<512x1xf32> -> vector<512x1xf32>
    %gt3A = arith.constant 5.000000e-01 : f32
    %gt3A_11 = vector.broadcast %gt3A : f32 to vector<512x1xf32>
    %gt3A_12 = arith.cmpf ogt, %dot_general3A_10, %gt3A_11 : vector<512x1xf32>
    %jit3A = arith.constant 0x7FC00000 : f32
    %broadcast_in_dim3A_13 = vector.shape_cast %gt3A_12 : vector<512x1xi1> to vector<512x1xi1>
    %broadcast_in_dim3A_14 = vector.broadcast %broadcast_in_dim3A_13 : vector<512x1xi1> to vector<512x1024xi1>
    %broadcast_in_dim3A_15 = vector.broadcast %jit3A : f32 to vector<512x1024xf32>
    %select_n3A = arith.select %broadcast_in_dim3A_14, %dot_general3A_7, %broadcast_in_dim3A_15 : vector<512x1024xi1>, vector<512x1024xf32>
    %swap3A = arith.constant 0 : index
    %swap3A_16 = arith.constant 0 : index
    %swap3A_17 = vector.load %arg3[%swap3A, %swap3A_16] : memref<2048x1024xf32, #tpu.memory_space<vmem>>, vector<512x1024xf32>
    tpu.vector_store %arg3[%swap3A, %swap3A_16], %select_n3A {strides = array<i32>} : memref<2048x1024xf32, #tpu.memory_space<vmem>>, vector<512x1024xf32>,
    %dma_start3A = arith.constant 0 : i32
    %dma_start3A_18 = arith.constant 0 : i32
    %dma_start3A_19 = arith.constant 0 : i32
    %dma_start3A_20 = tpu.memref_slice %arg2[%dma_start3A, %dma_start3A_18, %dma_start3A_19] : memref<16x2048x1024xf32, #tpu.memory_space<any>> -> memref<1x512x1024xf32, #tpu.memory_space<any>>
    %dma_start3A_21 = tpu.memref_squeeze %dma_start3A_20 : memref<1x512x1024xf32, #tpu.memory_space<any>> -> memref<512x1024xf32, #tpu.memory_space<any>>
    %dma_start3A_22 = arith.constant 0 : i32
    %dma_start3A_23 = arith.constant 0 : i32
    %dma_start3A_24 = tpu.memref_slice %arg3[%dma_start3A_22, %dma_start3A_23] : memref<2048x1024xf32, #tpu.memory_space<vmem>> -> memref<512x1024xf32, #tpu.memory_space<vmem>>
    tpu.enqueue_dma source(%dma_start3A_24 : memref<512x1024xf32, #tpu.memory_space<vmem>>) target(%dma_start3A_21 : memref<512x1024xf32, #tpu.memory_space<any>>) target_semaphore(%arg4 : memref<!tpu.dma_semaphore, #tpu.memory_space<semaphore_mem>>)
    %dma_start3A_25 = arith.constant 1 : i32
    %dma_start3A_26 = arith.constant 0 : i32
    %dma_start3A_27 = arith.constant 0 : i32
    %dma_start3A_28 = tpu.memref_slice %arg2[%dma_start3A_25, %dma_start3A_26, %dma_start3A_27] : memref<16x2048x1024xf32, #tpu.memory_space<any>> -> memref<1x512x1024xf32, #tpu.memory_space<any>>
    %dma_start3A_29 = tpu.memref_squeeze %dma_start3A_28 : memref<1x512x1024xf32, #tpu.memory_space<any>> -> memref<512x1024xf32, #tpu.memory_space<any>>
    %dma_start3A_30 = arith.constant 0 : i32
    %dma_start3A_31 = arith.constant 0 : i32
    %dma_start3A_32 = tpu.memref_slice %arg3[%dma_start3A_30, %dma_start3A_31] : memref<2048x1024xf32, #tpu.memory_space<vmem>> -> memref<512x1024xf32, #tpu.memory_space<vmem>>
    tpu.enqueue_dma source(%dma_start3A_32 : memref<512x1024xf32, #tpu.memory_space<vmem>>) target(%dma_start3A_29 : memref<512x1024xf32, #tpu.memory_space<any>>) target_semaphore(%arg5 : memref<!tpu.dma_semaphore, #tpu.memory_space<semaphore_mem>>)
    %dma_start3A_33 = arith.constant 2 : i32
    %dma_start3A_34 = arith.constant 0 : i32
    %dma_start3A_35 = arith.constant 0 : i32
    %dma_start3A_36 = tpu.memref_slice %arg2[%dma_start3A_33, %dma_start3A_34, %dma_start3A_35] : memref<16x2048x1024xf32, #tpu.memory_space<any>> -> memref<1x512x1024xf32, #tpu.memory_space<any>>
    %dma_start3A_37 = tpu.memref_squeeze %dma_start3A_36 : memref<1x512x1024xf32, #tpu.memory_space<any>> -> memref<512x1024xf32, #tpu.memory_space<any>>
    %dma_start3A_38 = arith.constant 0 : i32
    %dma_start3A_39 = arith.constant 0 : i32
    %dma_start3A_40 = tpu.memref_slice %arg3[%dma_start3A_38, %dma_start3A_39] : memref<2048x1024xf32, #tpu.memory_space<vmem>> -> memref<512x1024xf32, #tpu.memory_space<vmem>>
    tpu.enqueue_dma source(%dma_start3A_40 : memref<512x1024xf32, #tpu.memory_space<vmem>>) target(%dma_start3A_37 : memref<512x1024xf32, #tpu.memory_space<any>>) target_semaphore(%arg6 : memref<!tpu.dma_semaphore, #tpu.memory_space<semaphore_mem>>)
    %dma_start3A_41 = arith.constant 3 : i32
    %dma_start3A_42 = arith.constant 0 : i32
    %dma_start3A_43 = arith.constant 0 : i32
    %dma_start3A_44 = tpu.memref_slice %arg2[%dma_start3A_41, %dma_start3A_42, %dma_start3A_43] : memref<16x2048x1024xf32, #tpu.memory_space<any>> -> memref<1x512x1024xf32, #tpu.memory_space<any>>
    %dma_start3A_45 = tpu.memref_squeeze %dma_start3A_44 : memref<1x512x1024xf32, #tpu.memory_space<any>> -> memref<512x1024xf32, #tpu.memory_space<any>>
    %dma_start3A_46 = arith.constant 0 : i32
    %dma_start3A_47 = arith.constant 0 : i32
    %dma_start3A_48 = tpu.memref_slice %arg3[%dma_start3A_46, %dma_start3A_47] : memref<2048x1024xf32, #tpu.memory_space<vmem>> -> memref<512x1024xf32, #tpu.memory_space<vmem>>
    tpu.enqueue_dma source(%dma_start3A_48 : memref<512x1024xf32, #tpu.memory_space<vmem>>) target(%dma_start3A_45 : memref<512x1024xf32, #tpu.memory_space<any>>) target_semaphore(%arg7 : memref<!tpu.dma_semaphore, #tpu.memory_space<semaphore_mem>>)
    %dma_start3A_49 = arith.constant 4 : i32
    %dma_start3A_50 = arith.constant 0 : i32
    %dma_start3A_51 = arith.constant 0 : i32
    %dma_start3A_52 = tpu.memref_slice %arg2[%dma_start3A_49, %dma_start3A_50, %dma_start3A_51] : memref<16x2048x1024xf32, #tpu.memory_space<any>> -> memref<1x512x1024xf32, #tpu.memory_space<any>>
    %dma_start3A_53 = tpu.memref_squeeze %dma_start3A_52 : memref<1x512x1024xf32, #tpu.memory_space<any>> -> memref<512x1024xf32, #tpu.memory_space<any>>
    %dma_start3A_54 = arith.constant 0 : i32
    %dma_start3A_55 = arith.constant 0 : i32
    %dma_start3A_56 = tpu.memref_slice %arg3[%dma_start3A_54, %dma_start3A_55] : memref<2048x1024xf32, #tpu.memory_space<vmem>> -> memref<512x1024xf32, #tpu.memory_space<vmem>>
    tpu.enqueue_dma source(%dma_start3A_56 : memref<512x1024xf32, #tpu.memory_space<vmem>>) target(%dma_start3A_53 : memref<512x1024xf32, #tpu.memory_space<any>>) target_semaphore(%arg4 : memref<!tpu.dma_semaphore, #tpu.memory_space<semaphore_mem>>)
    %dma_start3A_57 = arith.constant 5 : i32
    %dma_start3A_58 = arith.constant 0 : i32
    %dma_start3A_59 = arith.constant 0 : i32
    %dma_start3A_60 = tpu.memref_slice %arg2[%dma_start3A_57, %dma_start3A_58, %dma_start3A_59] : memref<16x2048x1024xf32, #tpu.memory_space<any>> -> memref<1x512x1024xf32, #tpu.memory_space<any>>
    %dma_start3A_61 = tpu.memref_squeeze %dma_start3A_60 : memref<1x512x1024xf32, #tpu.memory_space<any>> -> memref<512x1024xf32, #tpu.memory_space<any>>
    %dma_start3A_62 = arith.constant 0 : i32
    %dma_start3A_63 = arith.constant 0 : i32
    %dma_start3A_64 = tpu.memref_slice %arg3[%dma_start3A_62, %dma_start3A_63] : memref<2048x1024xf32, #tpu.memory_space<vmem>> -> memref<512x1024xf32, #tpu.memory_space<vmem>>
    tpu.enqueue_dma source(%dma_start3A_64 : memref<512x1024xf32, #tpu.memory_space<vmem>>) target(%dma_start3A_61 : memref<512x1024xf32, #tpu.memory_space<any>>) target_semaphore(%arg5 : memref<!tpu.dma_semaphore, #tpu.memory_space<semaphore_mem>>)
    %dma_start3A_65 = arith.constant 6 : i32
    %dma_start3A_66 = arith.constant 0 : i32
    %dma_start3A_67 = arith.constant 0 : i32
    %dma_start3A_68 = tpu.memref_slice %arg2[%dma_start3A_65, %dma_start3A_66, %dma_start3A_67] : memref<16x2048x1024xf32, #tpu.memory_space<any>> -> memref<1x512x1024xf32, #tpu.memory_space<any>>
    %dma_start3A_69 = tpu.memref_squeeze %dma_start3A_68 : memref<1x512x1024xf32, #tpu.memory_space<any>> -> memref<512x1024xf32, #tpu.memory_space<any>>
    %dma_start3A_70 = arith.constant 0 : i32
    %dma_start3A_71 = arith.constant 0 : i32
    %dma_start3A_72 = tpu.memref_slice %arg3[%dma_start3A_70, %dma_start3A_71] : memref<2048x1024xf32, #tpu.memory_space<vmem>> -> memref<512x1024xf32, #tpu.memory_space<vmem>>
    tpu.enqueue_dma source(%dma_start3A_72 : memref<512x1024xf32, #tpu.memory_space<vmem>>) target(%dma_start3A_69 : memref<512x1024xf32, #tpu.memory_space<any>>) target_semaphore(%arg6 : memref<!tpu.dma_semaphore, #tpu.memory_space<semaphore_mem>>)
    %dma_start3A_73 = arith.constant 7 : i32
    %dma_start3A_74 = arith.constant 0 : i32
    %dma_start3A_75 = arith.constant 0 : i32
    %dma_start3A_76 = tpu.memref_slice %arg2[%dma_start3A_73, %dma_start3A_74, %dma_start3A_75] : memref<16x2048x1024xf32, #tpu.memory_space<any>> -> memref<1x512x1024xf32, #tpu.memory_space<any>>
    %dma_start3A_77 = tpu.memref_squeeze %dma_start3A_76 : memref<1x512x1024xf32, #tpu.memory_space<any>> -> memref<512x1024xf32, #tpu.memory_space<any>>
    %dma_start3A_78 = arith.constant 0 : i32
    %dma_start3A_79 = arith.constant 0 : i32
    %dma_start3A_80 = tpu.memref_slice %arg3[%dma_start3A_78, %dma_start3A_79] : memref<2048x1024xf32, #tpu.memory_space<vmem>> -> memref<512x1024xf32, #tpu.memory_space<vmem>>
    tpu.enqueue_dma source(%dma_start3A_80 : memref<512x1024xf32, #tpu.memory_space<vmem>>) target(%dma_start3A_77 : memref<512x1024xf32, #tpu.memory_space<any>>) target_semaphore(%arg7 : memref<!tpu.dma_semaphore, #tpu.memory_space<semaphore_mem>>)
    %dma_start3A_81 = arith.constant 8 : i32
    %dma_start3A_82 = arith.constant 0 : i32
    %dma_start3A_83 = arith.constant 0 : i32
    %dma_start3A_84 = tpu.memref_slice %arg2[%dma_start3A_81, %dma_start3A_82, %dma_start3A_83] : memref<16x2048x1024xf32, #tpu.memory_space<any>> -> memref<1x512x1024xf32, #tpu.memory_space<any>>
    %dma_start3A_85 = tpu.memref_squeeze %dma_start3A_84 : memref<1x512x1024xf32, #tpu.memory_space<any>> -> memref<512x1024xf32, #tpu.memory_space<any>>
    %dma_start3A_86 = arith.constant 0 : i32
    %dma_start3A_87 = arith.constant 0 : i32
    %dma_start3A_88 = tpu.memref_slice %arg3[%dma_start3A_86, %dma_start3A_87] : memref<2048x1024xf32, #tpu.memory_space<vmem>> -> memref<512x1024xf32, #tpu.memory_space<vmem>>
    tpu.enqueue_dma source(%dma_start3A_88 : memref<512x1024xf32, #tpu.memory_space<vmem>>) target(%dma_start3A_85 : memref<512x1024xf32, #tpu.memory_space<any>>) target_semaphore(%arg4 : memref<!tpu.dma_semaphore, #tpu.memory_space<semaphore_mem>>)
    %dma_start3A_89 = arith.constant 9 : i32
    %dma_start3A_90 = arith.constant 0 : i32
    %dma_start3A_91 = arith.constant 0 : i32
    %dma_start3A_92 = tpu.memref_slice %arg2[%dma_start3A_89, %dma_start3A_90, %dma_start3A_91] : memref<16x2048x1024xf32, #tpu.memory_space<any>> -> memref<1x512x1024xf32, #tpu.memory_space<any>>
    %dma_start3A_93 = tpu.memref_squeeze %dma_start3A_92 : memref<1x512x1024xf32, #tpu.memory_space<any>> -> memref<512x1024xf32, #tpu.memory_space<any>>
    %dma_start3A_94 = arith.constant 0 : i32
    %dma_start3A_95 = arith.constant 0 : i32
    %dma_start3A_96 = tpu.memref_slice %arg3[%dma_start3A_94, %dma_start3A_95] : memref<2048x1024xf32, #tpu.memory_space<vmem>> -> memref<512x1024xf32, #tpu.memory_space<vmem>>
    tpu.enqueue_dma source(%dma_start3A_96 : memref<512x1024xf32, #tpu.memory_space<vmem>>) target(%dma_start3A_93 : memref<512x1024xf32, #tpu.memory_space<any>>) target_semaphore(%arg5 : memref<!tpu.dma_semaphore, #tpu.memory_space<semaphore_mem>>)
    %dma_start3A_97 = arith.constant 10 : i32
    %dma_start3A_98 = arith.constant 0 : i32
    %dma_start3A_99 = arith.constant 0 : i32
    %dma_start3A_100 = tpu.memref_slice %arg2[%dma_start3A_97, %dma_start3A_98, %dma_start3A_99] : memref<16x2048x1024xf32, #tpu.memory_space<any>> -> memref<1x512x1024xf32, #tpu.memory_space<any>>
    %dma_start3A_101 = tpu.memref_squeeze %dma_start3A_100 : memref<1x512x1024xf32, #tpu.memory_space<any>> -> memref<512x1024xf32, #tpu.memory_space<any>>
    %dma_start3A_102 = arith.constant 0 : i32
    %dma_start3A_103 = arith.constant 0 : i32
    %dma_start3A_104 = tpu.memref_slice %arg3[%dma_start3A_102, %dma_start3A_103] : memref<2048x1024xf32, #tpu.memory_space<vmem>> -> memref<512x1024xf32, #tpu.memory_space<vmem>>
    tpu.enqueue_dma source(%dma_start3A_104 : memref<512x1024xf32, #tpu.memory_space<vmem>>) target(%dma_start3A_101 : memref<512x1024xf32, #tpu.memory_space<any>>) target_semaphore(%arg6 : memref<!tpu.dma_semaphore, #tpu.memory_space<semaphore_mem>>)
    %dma_start3A_105 = arith.constant 11 : i32
    %dma_start3A_106 = arith.constant 0 : i32
    %dma_start3A_107 = arith.constant 0 : i32
    %dma_start3A_108 = tpu.memref_slice %arg2[%dma_start3A_105, %dma_start3A_106, %dma_start3A_107] : memref<16x2048x1024xf32, #tpu.memory_space<any>> -> memref<1x512x1024xf32, #tpu.memory_space<any>>
    %dma_start3A_109 = tpu.memref_squeeze %dma_start3A_108 : memref<1x512x1024xf32, #tpu.memory_space<any>> -> memref<512x1024xf32, #tpu.memory_space<any>>
    %dma_start3A_110 = arith.constant 0 : i32
    %dma_start3A_111 = arith.constant 0 : i32
    %dma_start3A_112 = tpu.memref_slice %arg3[%dma_start3A_110, %dma_start3A_111] : memref<2048x1024xf32, #tpu.memory_space<vmem>> -> memref<512x1024xf32, #tpu.memory_space<vmem>>
    tpu.enqueue_dma source(%dma_start3A_112 : memref<512x1024xf32, #tpu.memory_space<vmem>>) target(%dma_start3A_109 : memref<512x1024xf32, #tpu.memory_space<any>>) target_semaphore(%arg7 : memref<!tpu.dma_semaphore, #tpu.memory_space<semaphore_mem>>)
    %dma_start3A_113 = arith.constant 12 : i32
    %dma_start3A_114 = arith.constant 0 : i32
    %dma_start3A_115 = arith.constant 0 : i32
    %dma_start3A_116 = tpu.memref_slice %arg2[%dma_start3A_113, %dma_start3A_114, %dma_start3A_115] : memref<16x2048x1024xf32, #tpu.memory_space<any>> -> memref<1x512x1024xf32, #tpu.memory_space<any>>
    %dma_start3A_117 = tpu.memref_squeeze %dma_start3A_116 : memref<1x512x1024xf32, #tpu.memory_space<any>> -> memref<512x1024xf32, #tpu.memory_space<any>>
    %dma_start3A_118 = arith.constant 0 : i32
    %dma_start3A_119 = arith.constant 0 : i32
    %dma_start3A_120 = tpu.memref_slice %arg3[%dma_start3A_118, %dma_start3A_119] : memref<2048x1024xf32, #tpu.memory_space<vmem>> -> memref<512x1024xf32, #tpu.memory_space<vmem>>
    tpu.enqueue_dma source(%dma_start3A_120 : memref<512x1024xf32, #tpu.memory_space<vmem>>) target(%dma_start3A_117 : memref<512x1024xf32, #tpu.memory_space<any>>) target_semaphore(%arg4 : memref<!tpu.dma_semaphore, #tpu.memory_space<semaphore_mem>>)
    %dma_start3A_121 = arith.constant 13 : i32
    %dma_start3A_122 = arith.constant 0 : i32
    %dma_start3A_123 = arith.constant 0 : i32
    %dma_start3A_124 = tpu.memref_slice %arg2[%dma_start3A_121, %dma_start3A_122, %dma_start3A_123] : memref<16x2048x1024xf32, #tpu.memory_space<any>> -> memref<1x512x1024xf32, #tpu.memory_space<any>>
    %dma_start3A_125 = tpu.memref_squeeze %dma_start3A_124 : memref<1x512x1024xf32, #tpu.memory_space<any>> -> memref<512x1024xf32, #tpu.memory_space<any>>
    %dma_start3A_126 = arith.constant 0 : i32
    %dma_start3A_127 = arith.constant 0 : i32
    %dma_start3A_128 = tpu.memref_slice %arg3[%dma_start3A_126, %dma_start3A_127] : memref<2048x1024xf32, #tpu.memory_space<vmem>> -> memref<512x1024xf32, #tpu.memory_space<vmem>>
    tpu.enqueue_dma source(%dma_start3A_128 : memref<512x1024xf32, #tpu.memory_space<vmem>>) target(%dma_start3A_125 : memref<512x1024xf32, #tpu.memory_space<any>>) target_semaphore(%arg5 : memref<!tpu.dma_semaphore, #tpu.memory_space<semaphore_mem>>)
    %dma_start3A_129 = arith.constant 14 : i32
    %dma_start3A_130 = arith.constant 0 : i32
    %dma_start3A_131 = arith.constant 0 : i32
    %dma_start3A_132 = tpu.memref_slice %arg2[%dma_start3A_129, %dma_start3A_130, %dma_start3A_131] : memref<16x2048x1024xf32, #tpu.memory_space<any>> -> memref<1x512x1024xf32, #tpu.memory_space<any>>
    %dma_start3A_133 = tpu.memref_squeeze %dma_start3A_132 : memref<1x512x1024xf32, #tpu.memory_space<any>> -> memref<512x1024xf32, #tpu.memory_space<any>>
    %dma_start3A_134 = arith.constant 0 : i32
    %dma_start3A_135 = arith.constant 0 : i32
    %dma_start3A_136 = tpu.memref_slice %arg3[%dma_start3A_134, %dma_start3A_135] : memref<2048x1024xf32, #tpu.memory_space<vmem>> -> memref<512x1024xf32, #tpu.memory_space<vmem>>
    tpu.enqueue_dma source(%dma_start3A_136 : memref<512x1024xf32, #tpu.memory_space<vmem>>) target(%dma_start3A_133 : memref<512x1024xf32, #tpu.memory_space<any>>) target_semaphore(%arg6 : memref<!tpu.dma_semaphore, #tpu.memory_space<semaphore_mem>>)
    %dma_start3A_137 = arith.constant 15 : i32
    %dma_start3A_138 = arith.constant 0 : i32
    %dma_start3A_139 = arith.constant 0 : i32
    %dma_start3A_140 = tpu.memref_slice %arg2[%dma_start3A_137, %dma_start3A_138, %dma_start3A_139] : memref<16x2048x1024xf32, #tpu.memory_space<any>> -> memref<1x512x1024xf32, #tpu.memory_space<any>>
    %dma_start3A_141 = tpu.memref_squeeze %dma_start3A_140 : memref<1x512x1024xf32, #tpu.memory_space<any>> -> memref<512x1024xf32, #tpu.memory_space<any>>
    %dma_start3A_142 = arith.constant 0 : i32
    %dma_start3A_143 = arith.constant 0 : i32
    %dma_start3A_144 = tpu.memref_slice %arg3[%dma_start3A_142, %dma_start3A_143] : memref<2048x1024xf32, #tpu.memory_space<vmem>> -> memref<512x1024xf32, #tpu.memory_space<vmem>>
    tpu.enqueue_dma source(%dma_start3A_144 : memref<512x1024xf32, #tpu.memory_space<vmem>>) target(%dma_start3A_141 : memref<512x1024xf32, #tpu.memory_space<any>>) target_semaphore(%arg7 : memref<!tpu.dma_semaphore, #tpu.memory_space<semaphore_mem>>)
    %get3A_145 = arith.constant 0 : index
    %get3A_146 = arith.constant 512 : index
    %get3A_147 = vector.load %arg0[%get3A_145, %get3A_146] : memref<1x2048xi32, #tpu.memory_space<vmem>>, vector<1x512xi32>
    %iota3A_148 = tpu.iota {dimensions = array<i32: 0>} : vector<2048x512xi32>
    %eq3A_149 = vector.broadcast %get3A_147 : vector<1x512xi32> to vector<2048x512xi32>
    %eq3A_150 = arith.cmpi eq, %iota3A_148, %eq3A_149 : vector<2048x512xi32>
    %convert_element_type3A_151 = arith.extui %eq3A_150 : vector<2048x512xi1> to vector<2048x512xi32>
    %convert_element_type3A_152 = arith.sitofp %convert_element_type3A_151 : vector<2048x512xi32> to vector<2048x512xf32>
    %get3A_153 = arith.constant 0 : index
    %get3A_154 = arith.constant 0 : index
    %get3A_155 = vector.load %arg1[%get3A_153, %get3A_154] : memref<2048x1024xf32, #tpu.memory_space<vmem>>, vector<2048x1024xf32>
    %dot_general3A_156 = arith.constant dense<0.000000e+00> : vector<512x1024xf32>
    %dot_general3A_157 = tpu.matmul %convert_element_type3A_152, %get3A_155, %dot_general3A_156 {dimension_numbers = #tpu.dot_dimension_numbers<[0], [0], [1], [1], [0, 1, 1, 1], [], []>, transpose_lhs_hint = false} : vector<2048x512xf32>, vector<2048x1024xf32>, vector<512x1024xf32> -> vector<512x1024xf32>
    %broadcast_in_dim3A_158 = arith.constant 1.000000e+00 : f32
    %broadcast_in_dim3A_159 = vector.broadcast %broadcast_in_dim3A_158 : f32 to vector<2048x1xf32>
    %dot_general3A_160 = arith.constant dense<0.000000e+00> : vector<512x1xf32>
    %dot_general3A_161 = tpu.matmul %convert_element_type3A_152, %broadcast_in_dim3A_159, %dot_general3A_160 {dimension_numbers = #tpu.dot_dimension_numbers<[0], [0], [1], [1], [0, 1, 1, 1], [], []>, transpose_lhs_hint = false} : vector<2048x512xf32>, vector<2048x1xf32>, vector<512x1xf32> -> vector<512x1xf32>
    %gt3A_162 = arith.constant 5.000000e-01 : f32
    %gt3A_163 = vector.broadcast %gt3A_162 : f32 to vector<512x1xf32>
    %gt3A_164 = arith.cmpf ogt, %dot_general3A_161, %gt3A_163 : vector<512x1xf32>
    %jit3A_165 = arith.constant 0x7FC00000 : f32
    %broadcast_in_dim3A_166 = vector.shape_cast %gt3A_164 : vector<512x1xi1> to vector<512x1xi1>
    %broadcast_in_dim3A_167 = vector.broadcast %broadcast_in_dim3A_166 : vector<512x1xi1> to vector<512x1024xi1>
    %broadcast_in_dim3A_168 = vector.broadcast %jit3A_165 : f32 to vector<512x1024xf32>
    %select_n3A_169 = arith.select %broadcast_in_dim3A_167, %dot_general3A_157, %broadcast_in_dim3A_168 : vector<512x1024xi1>, vector<512x1024xf32>
    %swap3A_170 = arith.constant 512 : index
    %swap3A_171 = arith.constant 0 : index
    %swap3A_172 = vector.load %arg3[%swap3A_170, %swap3A_171] : memref<2048x1024xf32, #tpu.memory_space<vmem>>, vector<512x1024xf32>
    tpu.vector_store %arg3[%swap3A_170, %swap3A_171], %select_n3A_169 {strides = array<i32>} : memref<2048x1024xf32, #tpu.memory_space<vmem>>, vector<512x1024xf32>,
    %dma_start3A_173 = arith.constant 0 : i32
    %dma_start3A_174 = arith.constant 512 : i32
    %dma_start3A_175 = arith.constant 0 : i32
    %dma_start3A_176 = tpu.memref_slice %arg2[%dma_start3A_173, %dma_start3A_174, %dma_start3A_175] : memref<16x2048x1024xf32, #tpu.memory_space<any>> -> memref<1x512x1024xf32, #tpu.memory_space<any>>
    %dma_start3A_177 = tpu.memref_squeeze %dma_start3A_176 : memref<1x512x1024xf32, #tpu.memory_space<any>> -> memref<512x1024xf32, #tpu.memory_space<any>>
    %dma_start3A_178 = arith.constant 512 : i32
    %dma_start3A_179 = arith.constant 0 : i32
    %dma_start3A_180 = tpu.memref_slice %arg3[%dma_start3A_178, %dma_start3A_179] : memref<2048x1024xf32, #tpu.memory_space<vmem>> -> memref<512x1024xf32, #tpu.memory_space<vmem>>
    tpu.enqueue_dma source(%dma_start3A_180 : memref<512x1024xf32, #tpu.memory_space<vmem>>) target(%dma_start3A_177 : memref<512x1024xf32, #tpu.memory_space<any>>) target_semaphore(%arg4 : memref<!tpu.dma_semaphore, #tpu.memory_space<semaphore_mem>>)
    %dma_start3A_181 = arith.constant 1 : i32
    %dma_start3A_182 = arith.constant 512 : i32
    %dma_start3A_183 = arith.constant 0 : i32
    %dma_start3A_184 = tpu.memref_slice %arg2[%dma_start3A_181, %dma_start3A_182, %dma_start3A_183] : memref<16x2048x1024xf32, #tpu.memory_space<any>> -> memref<1x512x1024xf32, #tpu.memory_space<any>>
    %dma_start3A_185 = tpu.memref_squeeze %dma_start3A_184 : memref<1x512x1024xf32, #tpu.memory_space<any>> -> memref<512x1024xf32, #tpu.memory_space<any>>
    %dma_start3A_186 = arith.constant 512 : i32
    %dma_start3A_187 = arith.constant 0 : i32
    %dma_start3A_188 = tpu.memref_slice %arg3[%dma_start3A_186, %dma_start3A_187] : memref<2048x1024xf32, #tpu.memory_space<vmem>> -> memref<512x1024xf32, #tpu.memory_space<vmem>>
    tpu.enqueue_dma source(%dma_start3A_188 : memref<512x1024xf32, #tpu.memory_space<vmem>>) target(%dma_start3A_185 : memref<512x1024xf32, #tpu.memory_space<any>>) target_semaphore(%arg5 : memref<!tpu.dma_semaphore, #tpu.memory_space<semaphore_mem>>)
    %dma_start3A_189 = arith.constant 2 : i32
    %dma_start3A_190 = arith.constant 512 : i32
    %dma_start3A_191 = arith.constant 0 : i32
    %dma_start3A_192 = tpu.memref_slice %arg2[%dma_start3A_189, %dma_start3A_190, %dma_start3A_191] : memref<16x2048x1024xf32, #tpu.memory_space<any>> -> memref<1x512x1024xf32, #tpu.memory_space<any>>
    %dma_start3A_193 = tpu.memref_squeeze %dma_start3A_192 : memref<1x512x1024xf32, #tpu.memory_space<any>> -> memref<512x1024xf32, #tpu.memory_space<any>>
    %dma_start3A_194 = arith.constant 512 : i32
    %dma_start3A_195 = arith.constant 0 : i32
    %dma_start3A_196 = tpu.memref_slice %arg3[%dma_start3A_194, %dma_start3A_195] : memref<2048x1024xf32, #tpu.memory_space<vmem>> -> memref<512x1024xf32, #tpu.memory_space<vmem>>
    tpu.enqueue_dma source(%dma_start3A_196 : memref<512x1024xf32, #tpu.memory_space<vmem>>) target(%dma_start3A_193 : memref<512x1024xf32, #tpu.memory_space<any>>) target_semaphore(%arg6 : memref<!tpu.dma_semaphore, #tpu.memory_space<semaphore_mem>>)
    %dma_start3A_197 = arith.constant 3 : i32
    %dma_start3A_198 = arith.constant 512 : i32
    %dma_start3A_199 = arith.constant 0 : i32
    %dma_start3A_200 = tpu.memref_slice %arg2[%dma_start3A_197, %dma_start3A_198, %dma_start3A_199] : memref<16x2048x1024xf32, #tpu.memory_space<any>> -> memref<1x512x1024xf32, #tpu.memory_space<any>>
    %dma_start3A_201 = tpu.memref_squeeze %dma_start3A_200 : memref<1x512x1024xf32, #tpu.memory_space<any>> -> memref<512x1024xf32, #tpu.memory_space<any>>
    %dma_start3A_202 = arith.constant 512 : i32
    %dma_start3A_203 = arith.constant 0 : i32
    %dma_start3A_204 = tpu.memref_slice %arg3[%dma_start3A_202, %dma_start3A_203] : memref<2048x1024xf32, #tpu.memory_space<vmem>> -> memref<512x1024xf32, #tpu.memory_space<vmem>>
    tpu.enqueue_dma source(%dma_start3A_204 : memref<512x1024xf32, #tpu.memory_space<vmem>>) target(%dma_start3A_201 : memref<512x1024xf32, #tpu.memory_space<any>>) target_semaphore(%arg7 : memref<!tpu.dma_semaphore, #tpu.memory_space<semaphore_mem>>)
    %dma_start3A_205 = arith.constant 4 : i32
    %dma_start3A_206 = arith.constant 512 : i32
    %dma_start3A_207 = arith.constant 0 : i32
    %dma_start3A_208 = tpu.memref_slice %arg2[%dma_start3A_205, %dma_start3A_206, %dma_start3A_207] : memref<16x2048x1024xf32, #tpu.memory_space<any>> -> memref<1x512x1024xf32, #tpu.memory_space<any>>
    %dma_start3A_209 = tpu.memref_squeeze %dma_start3A_208 : memref<1x512x1024xf32, #tpu.memory_space<any>> -> memref<512x1024xf32, #tpu.memory_space<any>>
    %dma_start3A_210 = arith.constant 512 : i32
    %dma_start3A_211 = arith.constant 0 : i32
    %dma_start3A_212 = tpu.memref_slice %arg3[%dma_start3A_210, %dma_start3A_211] : memref<2048x1024xf32, #tpu.memory_space<vmem>> -> memref<512x1024xf32, #tpu.memory_space<vmem>>
    tpu.enqueue_dma source(%dma_start3A_212 : memref<512x1024xf32, #tpu.memory_space<vmem>>) target(%dma_start3A_209 : memref<512x1024xf32, #tpu.memory_space<any>>) target_semaphore(%arg4 : memref<!tpu.dma_semaphore, #tpu.memory_space<semaphore_mem>>)
    %dma_start3A_213 = arith.constant 5 : i32
    %dma_start3A_214 = arith.constant 512 : i32
    %dma_start3A_215 = arith.constant 0 : i32
    %dma_start3A_216 = tpu.memref_slice %arg2[%dma_start3A_213, %dma_start3A_214, %dma_start3A_215] : memref<16x2048x1024xf32, #tpu.memory_space<any>> -> memref<1x512x1024xf32, #tpu.memory_space<any>>
    %dma_start3A_217 = tpu.memref_squeeze %dma_start3A_216 : memref<1x512x1024xf32, #tpu.memory_space<any>> -> memref<512x1024xf32, #tpu.memory_space<any>>
    %dma_start3A_218 = arith.constant 512 : i32
    %dma_start3A_219 = arith.constant 0 : i32
    %dma_start3A_220 = tpu.memref_slice %arg3[%dma_start3A_218, %dma_start3A_219] : memref<2048x1024xf32, #tpu.memory_space<vmem>> -> memref<512x1024xf32, #tpu.memory_space<vmem>>
    tpu.enqueue_dma source(%dma_start3A_220 : memref<512x1024xf32, #tpu.memory_space<vmem>>) target(%dma_start3A_217 : memref<512x1024xf32, #tpu.memory_space<any>>) target_semaphore(%arg5 : memref<!tpu.dma_semaphore, #tpu.memory_space<semaphore_mem>>)
    %dma_start3A_221 = arith.constant 6 : i32
    %dma_start3A_222 = arith.constant 512 : i32
    %dma_start3A_223 = arith.constant 0 : i32
    %dma_start3A_224 = tpu.memref_slice %arg2[%dma_start3A_221, %dma_start3A_222, %dma_start3A_223] : memref<16x2048x1024xf32, #tpu.memory_space<any>> -> memref<1x512x1024xf32, #tpu.memory_space<any>>
    %dma_start3A_225 = tpu.memref_squeeze %dma_start3A_224 : memref<1x512x1024xf32, #tpu.memory_space<any>> -> memref<512x1024xf32, #tpu.memory_space<any>>
    %dma_start3A_226 = arith.constant 512 : i32
    %dma_start3A_227 = arith.constant 0 : i32
    %dma_start3A_228 = tpu.memref_slice %arg3[%dma_start3A_226, %dma_start3A_227] : memref<2048x1024xf32, #tpu.memory_space<vmem>> -> memref<512x1024xf32, #tpu.memory_space<vmem>>
    tpu.enqueue_dma source(%dma_start3A_228 : memref<512x1024xf32, #tpu.memory_space<vmem>>) target(%dma_start3A_225 : memref<512x1024xf32, #tpu.memory_space<any>>) target_semaphore(%arg6 : memref<!tpu.dma_semaphore, #tpu.memory_space<semaphore_mem>>)
    %dma_start3A_229 = arith.constant 7 : i32
    %dma_start3A_230 = arith.constant 512 : i32
    %dma_start3A_231 = arith.constant 0 : i32
    %dma_start3A_232 = tpu.memref_slice %arg2[%dma_start3A_229, %dma_start3A_230, %dma_start3A_231] : memref<16x2048x1024xf32, #tpu.memory_space<any>> -> memref<1x512x1024xf32, #tpu.memory_space<any>>
    %dma_start3A_233 = tpu.memref_squeeze %dma_start3A_232 : memref<1x512x1024xf32, #tpu.memory_space<any>> -> memref<512x1024xf32, #tpu.memory_space<any>>
    %dma_start3A_234 = arith.constant 512 : i32
    %dma_start3A_235 = arith.constant 0 : i32
    %dma_start3A_236 = tpu.memref_slice %arg3[%dma_start3A_234, %dma_start3A_235] : memref<2048x1024xf32, #tpu.memory_space<vmem>> -> memref<512x1024xf32, #tpu.memory_space<vmem>>
    tpu.enqueue_dma source(%dma_start3A_236 : memref<512x1024xf32, #tpu.memory_space<vmem>>) target(%dma_start3A_233 : memref<512x1024xf32, #tpu.memory_space<any>>) target_semaphore(%arg7 : memref<!tpu.dma_semaphore, #tpu.memory_space<semaphore_mem>>)
    %dma_start3A_237 = arith.constant 8 : i32
    %dma_start3A_238 = arith.constant 512 : i32
    %dma_start3A_239 = arith.constant 0 : i32
    %dma_start3A_240 = tpu.memref_slice %arg2[%dma_start3A_237, %dma_start3A_238, %dma_start3A_239] : memref<16x2048x1024xf32, #tpu.memory_space<any>> -> memref<1x512x1024xf32, #tpu.memory_space<any>>
    %dma_start3A_241 = tpu.memref_squeeze %dma_start3A_240 : memref<1x512x1024xf32, #tpu.memory_space<any>> -> memref<512x1024xf32, #tpu.memory_space<any>>
    %dma_start3A_242 = arith.constant 512 : i32
    %dma_start3A_243 = arith.constant 0 : i32
    %dma_start3A_244 = tpu.memref_slice %arg3[%dma_start3A_242, %dma_start3A_243] : memref<2048x1024xf32, #tpu.memory_space<vmem>> -> memref<512x1024xf32, #tpu.memory_space<vmem>>
    tpu.enqueue_dma source(%dma_start3A_244 : memref<512x1024xf32, #tpu.memory_space<vmem>>) target(%dma_start3A_241 : memref<512x1024xf32, #tpu.memory_space<any>>) target_semaphore(%arg4 : memref<!tpu.dma_semaphore, #tpu.memory_space<semaphore_mem>>)
    %dma_start3A_245 = arith.constant 9 : i32
    %dma_start3A_246 = arith.constant 512 : i32
    %dma_start3A_247 = arith.constant 0 : i32
    %dma_start3A_248 = tpu.memref_slice %arg2[%dma_start3A_245, %dma_start3A_246, %dma_start3A_247] : memref<16x2048x1024xf32, #tpu.memory_space<any>> -> memref<1x512x1024xf32, #tpu.memory_space<any>>
    %dma_start3A_249 = tpu.memref_squeeze %dma_start3A_248 : memref<1x512x1024xf32, #tpu.memory_space<any>> -> memref<512x1024xf32, #tpu.memory_space<any>>
    %dma_start3A_250 = arith.constant 512 : i32
    %dma_start3A_251 = arith.constant 0 : i32
    %dma_start3A_252 = tpu.memref_slice %arg3[%dma_start3A_250, %dma_start3A_251] : memref<2048x1024xf32, #tpu.memory_space<vmem>> -> memref<512x1024xf32, #tpu.memory_space<vmem>>
    tpu.enqueue_dma source(%dma_start3A_252 : memref<512x1024xf32, #tpu.memory_space<vmem>>) target(%dma_start3A_249 : memref<512x1024xf32, #tpu.memory_space<any>>) target_semaphore(%arg5 : memref<!tpu.dma_semaphore, #tpu.memory_space<semaphore_mem>>)
    %dma_start3A_253 = arith.constant 10 : i32
    %dma_start3A_254 = arith.constant 512 : i32
    %dma_start3A_255 = arith.constant 0 : i32
    %dma_start3A_256 = tpu.memref_slice %arg2[%dma_start3A_253, %dma_start3A_254, %dma_start3A_255] : memref<16x2048x1024xf32, #tpu.memory_space<any>> -> memref<1x512x1024xf32, #tpu.memory_space<any>>
    %dma_start3A_257 = tpu.memref_squeeze %dma_start3A_256 : memref<1x512x1024xf32, #tpu.memory_space<any>> -> memref<512x1024xf32, #tpu.memory_space<any>>
    %dma_start3A_258 = arith.constant 512 : i32
    %dma_start3A_259 = arith.constant 0 : i32
    %dma_start3A_260 = tpu.memref_slice %arg3[%dma_start3A_258, %dma_start3A_259] : memref<2048x1024xf32, #tpu.memory_space<vmem>> -> memref<512x1024xf32, #tpu.memory_space<vmem>>
    tpu.enqueue_dma source(%dma_start3A_260 : memref<512x1024xf32, #tpu.memory_space<vmem>>) target(%dma_start3A_257 : memref<512x1024xf32, #tpu.memory_space<any>>) target_semaphore(%arg6 : memref<!tpu.dma_semaphore, #tpu.memory_space<semaphore_mem>>)
    %dma_start3A_261 = arith.constant 11 : i32
    %dma_start3A_262 = arith.constant 512 : i32
    %dma_start3A_263 = arith.constant 0 : i32
    %dma_start3A_264 = tpu.memref_slice %arg2[%dma_start3A_261, %dma_start3A_262, %dma_start3A_263] : memref<16x2048x1024xf32, #tpu.memory_space<any>> -> memref<1x512x1024xf32, #tpu.memory_space<any>>
    %dma_start3A_265 = tpu.memref_squeeze %dma_start3A_264 : memref<1x512x1024xf32, #tpu.memory_space<any>> -> memref<512x1024xf32, #tpu.memory_space<any>>
    %dma_start3A_266 = arith.constant 512 : i32
    %dma_start3A_267 = arith.constant 0 : i32
    %dma_start3A_268 = tpu.memref_slice %arg3[%dma_start3A_266, %dma_start3A_267] : memref<2048x1024xf32, #tpu.memory_space<vmem>> -> memref<512x1024xf32, #tpu.memory_space<vmem>>
    tpu.enqueue_dma source(%dma_start3A_268 : memref<512x1024xf32, #tpu.memory_space<vmem>>) target(%dma_start3A_265 : memref<512x1024xf32, #tpu.memory_space<any>>) target_semaphore(%arg7 : memref<!tpu.dma_semaphore, #tpu.memory_space<semaphore_mem>>)
    %dma_start3A_269 = arith.constant 12 : i32
    %dma_start3A_270 = arith.constant 512 : i32
    %dma_start3A_271 = arith.constant 0 : i32
    %dma_start3A_272 = tpu.memref_slice %arg2[%dma_start3A_269, %dma_start3A_270, %dma_start3A_271] : memref<16x2048x1024xf32, #tpu.memory_space<any>> -> memref<1x512x1024xf32, #tpu.memory_space<any>>
    %dma_start3A_273 = tpu.memref_squeeze %dma_start3A_272 : memref<1x512x1024xf32, #tpu.memory_space<any>> -> memref<512x1024xf32, #tpu.memory_space<any>>
    %dma_start3A_274 = arith.constant 512 : i32
    %dma_start3A_275 = arith.constant 0 : i32
    %dma_start3A_276 = tpu.memref_slice %arg3[%dma_start3A_274, %dma_start3A_275] : memref<2048x1024xf32, #tpu.memory_space<vmem>> -> memref<512x1024xf32, #tpu.memory_space<vmem>>
    tpu.enqueue_dma source(%dma_start3A_276 : memref<512x1024xf32, #tpu.memory_space<vmem>>) target(%dma_start3A_273 : memref<512x1024xf32, #tpu.memory_space<any>>) target_semaphore(%arg4 : memref<!tpu.dma_semaphore, #tpu.memory_space<semaphore_mem>>)
    %dma_start3A_277 = arith.constant 13 : i32
    %dma_start3A_278 = arith.constant 512 : i32
    %dma_start3A_279 = arith.constant 0 : i32
    %dma_start3A_280 = tpu.memref_slice %arg2[%dma_start3A_277, %dma_start3A_278, %dma_start3A_279] : memref<16x2048x1024xf32, #tpu.memory_space<any>> -> memref<1x512x1024xf32, #tpu.memory_space<any>>
    %dma_start3A_281 = tpu.memref_squeeze %dma_start3A_280 : memref<1x512x1024xf32, #tpu.memory_space<any>> -> memref<512x1024xf32, #tpu.memory_space<any>>
    %dma_start3A_282 = arith.constant 512 : i32
    %dma_start3A_283 = arith.constant 0 : i32
    %dma_start3A_284 = tpu.memref_slice %arg3[%dma_start3A_282, %dma_start3A_283] : memref<2048x1024xf32, #tpu.memory_space<vmem>> -> memref<512x1024xf32, #tpu.memory_space<vmem>>
    tpu.enqueue_dma source(%dma_start3A_284 : memref<512x1024xf32, #tpu.memory_space<vmem>>) target(%dma_start3A_281 : memref<512x1024xf32, #tpu.memory_space<any>>) target_semaphore(%arg5 : memref<!tpu.dma_semaphore, #tpu.memory_space<semaphore_mem>>)
    %dma_start3A_285 = arith.constant 14 : i32
    %dma_start3A_286 = arith.constant 512 : i32
    %dma_start3A_287 = arith.constant 0 : i32
    %dma_start3A_288 = tpu.memref_slice %arg2[%dma_start3A_285, %dma_start3A_286, %dma_start3A_287] : memref<16x2048x1024xf32, #tpu.memory_space<any>> -> memref<1x512x1024xf32, #tpu.memory_space<any>>
    %dma_start3A_289 = tpu.memref_squeeze %dma_start3A_288 : memref<1x512x1024xf32, #tpu.memory_space<any>> -> memref<512x1024xf32, #tpu.memory_space<any>>
    %dma_start3A_290 = arith.constant 512 : i32
    %dma_start3A_291 = arith.constant 0 : i32
    %dma_start3A_292 = tpu.memref_slice %arg3[%dma_start3A_290, %dma_start3A_291] : memref<2048x1024xf32, #tpu.memory_space<vmem>> -> memref<512x1024xf32, #tpu.memory_space<vmem>>
    tpu.enqueue_dma source(%dma_start3A_292 : memref<512x1024xf32, #tpu.memory_space<vmem>>) target(%dma_start3A_289 : memref<512x1024xf32, #tpu.memory_space<any>>) target_semaphore(%arg6 : memref<!tpu.dma_semaphore, #tpu.memory_space<semaphore_mem>>)
    %dma_start3A_293 = arith.constant 15 : i32
    %dma_start3A_294 = arith.constant 512 : i32
    %dma_start3A_295 = arith.constant 0 : i32
    %dma_start3A_296 = tpu.memref_slice %arg2[%dma_start3A_293, %dma_start3A_294, %dma_start3A_295] : memref<16x2048x1024xf32, #tpu.memory_space<any>> -> memref<1x512x1024xf32, #tpu.memory_space<any>>
    %dma_start3A_297 = tpu.memref_squeeze %dma_start3A_296 : memref<1x512x1024xf32, #tpu.memory_space<any>> -> memref<512x1024xf32, #tpu.memory_space<any>>
    %dma_start3A_298 = arith.constant 512 : i32
    %dma_start3A_299 = arith.constant 0 : i32
    %dma_start3A_300 = tpu.memref_slice %arg3[%dma_start3A_298, %dma_start3A_299] : memref<2048x1024xf32, #tpu.memory_space<vmem>> -> memref<512x1024xf32, #tpu.memory_space<vmem>>
    tpu.enqueue_dma source(%dma_start3A_300 : memref<512x1024xf32, #tpu.memory_space<vmem>>) target(%dma_start3A_297 : memref<512x1024xf32, #tpu.memory_space<any>>) target_semaphore(%arg7 : memref<!tpu.dma_semaphore, #tpu.memory_space<semaphore_mem>>)
    %get3A_301 = arith.constant 0 : index
    %get3A_302 = arith.constant 1024 : index
    %get3A_303 = vector.load %arg0[%get3A_301, %get3A_302] : memref<1x2048xi32, #tpu.memory_space<vmem>>, vector<1x512xi32>
    %iota3A_304 = tpu.iota {dimensions = array<i32: 0>} : vector<2048x512xi32>
    %eq3A_305 = vector.broadcast %get3A_303 : vector<1x512xi32> to vector<2048x512xi32>
    %eq3A_306 = arith.cmpi eq, %iota3A_304, %eq3A_305 : vector<2048x512xi32>
    %convert_element_type3A_307 = arith.extui %eq3A_306 : vector<2048x512xi1> to vector<2048x512xi32>
    %convert_element_type3A_308 = arith.sitofp %convert_element_type3A_307 : vector<2048x512xi32> to vector<2048x512xf32>
    %get3A_309 = arith.constant 0 : index
    %get3A_310 = arith.constant 0 : index
    %get3A_311 = vector.load %arg1[%get3A_309, %get3A_310] : memref<2048x1024xf32, #tpu.memory_space<vmem>>, vector<2048x1024xf32>
    %dot_general3A_312 = arith.constant dense<0.000000e+00> : vector<512x1024xf32>
    %dot_general3A_313 = tpu.matmul %convert_element_type3A_308, %get3A_311, %dot_general3A_312 {dimension_numbers = #tpu.dot_dimension_numbers<[0], [0], [1], [1], [0, 1, 1, 1], [], []>, transpose_lhs_hint = false} : vector<2048x512xf32>, vector<2048x1024xf32>, vector<512x1024xf32> -> vector<512x1024xf32>
    %broadcast_in_dim3A_314 = arith.constant 1.000000e+00 : f32
    %broadcast_in_dim3A_315 = vector.broadcast %broadcast_in_dim3A_314 : f32 to vector<2048x1xf32>
    %dot_general3A_316 = arith.constant dense<0.000000e+00> : vector<512x1xf32>
    %dot_general3A_317 = tpu.matmul %convert_element_type3A_308, %broadcast_in_dim3A_315, %dot_general3A_316 {dimension_numbers = #tpu.dot_dimension_numbers<[0], [0], [1], [1], [0, 1, 1, 1], [], []>, transpose_lhs_hint = false} : vector<2048x512xf32>, vector<2048x1xf32>, vector<512x1xf32> -> vector<512x1xf32>
    %gt3A_318 = arith.constant 5.000000e-01 : f32
    %gt3A_319 = vector.broadcast %gt3A_318 : f32 to vector<512x1xf32>
    %gt3A_320 = arith.cmpf ogt, %dot_general3A_317, %gt3A_319 : vector<512x1xf32>
    %jit3A_321 = arith.constant 0x7FC00000 : f32
    %broadcast_in_dim3A_322 = vector.shape_cast %gt3A_320 : vector<512x1xi1> to vector<512x1xi1>
    %broadcast_in_dim3A_323 = vector.broadcast %broadcast_in_dim3A_322 : vector<512x1xi1> to vector<512x1024xi1>
    %broadcast_in_dim3A_324 = vector.broadcast %jit3A_321 : f32 to vector<512x1024xf32>
    %select_n3A_325 = arith.select %broadcast_in_dim3A_323, %dot_general3A_313, %broadcast_in_dim3A_324 : vector<512x1024xi1>, vector<512x1024xf32>
    %swap3A_326 = arith.constant 1024 : index
    %swap3A_327 = arith.constant 0 : index
    %swap3A_328 = vector.load %arg3[%swap3A_326, %swap3A_327] : memref<2048x1024xf32, #tpu.memory_space<vmem>>, vector<512x1024xf32>
    tpu.vector_store %arg3[%swap3A_326, %swap3A_327], %select_n3A_325 {strides = array<i32>} : memref<2048x1024xf32, #tpu.memory_space<vmem>>, vector<512x1024xf32>,
    %dma_start3A_329 = arith.constant 0 : i32
    %dma_start3A_330 = arith.constant 1024 : i32
    %dma_start3A_331 = arith.constant 0 : i32
    %dma_start3A_332 = tpu.memref_slice %arg2[%dma_start3A_329, %dma_start3A_330, %dma_start3A_331] : memref<16x2048x1024xf32, #tpu.memory_space<any>> -> memref<1x512x1024xf32, #tpu.memory_space<any>>
    %dma_start3A_333 = tpu.memref_squeeze %dma_start3A_332 : memref<1x512x1024xf32, #tpu.memory_space<any>> -> memref<512x1024xf32, #tpu.memory_space<any>>
    %dma_start3A_334 = arith.constant 1024 : i32
    %dma_start3A_335 = arith.constant 0 : i32
    %dma_start3A_336 = tpu.memref_slice %arg3[%dma_start3A_334, %dma_start3A_335] : memref<2048x1024xf32, #tpu.memory_space<vmem>> -> memref<512x1024xf32, #tpu.memory_space<vmem>>
    tpu.enqueue_dma source(%dma_start3A_336 : memref<512x1024xf32, #tpu.memory_space<vmem>>) target(%dma_start3A_333 : memref<512x1024xf32, #tpu.memory_space<any>>) target_semaphore(%arg4 : memref<!tpu.dma_semaphore, #tpu.memory_space<semaphore_mem>>)
    %dma_start3A_337 = arith.constant 1 : i32
    %dma_start3A_338 = arith.constant 1024 : i32
    %dma_start3A_339 = arith.constant 0 : i32
    %dma_start3A_340 = tpu.memref_slice %arg2[%dma_start3A_337, %dma_start3A_338, %dma_start3A_339] : memref<16x2048x1024xf32, #tpu.memory_space<any>> -> memref<1x512x1024xf32, #tpu.memory_space<any>>
    %dma_start3A_341 = tpu.memref_squeeze %dma_start3A_340 : memref<1x512x1024xf32, #tpu.memory_space<any>> -> memref<512x1024xf32, #tpu.memory_space<any>>
    %dma_start3A_342 = arith.constant 1024 : i32
    %dma_start3A_343 = arith.constant 0 : i32
    %dma_start3A_344 = tpu.memref_slice %arg3[%dma_start3A_342, %dma_start3A_343] : memref<2048x1024xf32, #tpu.memory_space<vmem>> -> memref<512x1024xf32, #tpu.memory_space<vmem>>
    tpu.enqueue_dma source(%dma_start3A_344 : memref<512x1024xf32, #tpu.memory_space<vmem>>) target(%dma_start3A_341 : memref<512x1024xf32, #tpu.memory_space<any>>) target_semaphore(%arg5 : memref<!tpu.dma_semaphore, #tpu.memory_space<semaphore_mem>>)
    %dma_start3A_345 = arith.constant 2 : i32
    %dma_start3A_346 = arith.constant 1024 : i32
    %dma_start3A_347 = arith.constant 0 : i32
    %dma_start3A_348 = tpu.memref_slice %arg2[%dma_start3A_345, %dma_start3A_346, %dma_start3A_347] : memref<16x2048x1024xf32, #tpu.memory_space<any>> -> memref<1x512x1024xf32, #tpu.memory_space<any>>
    %dma_start3A_349 = tpu.memref_squeeze %dma_start3A_348 : memref<1x512x1024xf32, #tpu.memory_space<any>> -> memref<512x1024xf32, #tpu.memory_space<any>>
    %dma_start3A_350 = arith.constant 1024 : i32
    %dma_start3A_351 = arith.constant 0 : i32
    %dma_start3A_352 = tpu.memref_slice %arg3[%dma_start3A_350, %dma_start3A_351] : memref<2048x1024xf32, #tpu.memory_space<vmem>> -> memref<512x1024xf32, #tpu.memory_space<vmem>>
    tpu.enqueue_dma source(%dma_start3A_352 : memref<512x1024xf32, #tpu.memory_space<vmem>>) target(%dma_start3A_349 : memref<512x1024xf32, #tpu.memory_space<any>>) target_semaphore(%arg6 : memref<!tpu.dma_semaphore, #tpu.memory_space<semaphore_mem>>)
    %dma_start3A_353 = arith.constant 3 : i32
    %dma_start3A_354 = arith.constant 1024 : i32
    %dma_start3A_355 = arith.constant 0 : i32
    %dma_start3A_356 = tpu.memref_slice %arg2[%dma_start3A_353, %dma_start3A_354, %dma_start3A_355] : memref<16x2048x1024xf32, #tpu.memory_space<any>> -> memref<1x512x1024xf32, #tpu.memory_space<any>>
    %dma_start3A_357 = tpu.memref_squeeze %dma_start3A_356 : memref<1x512x1024xf32, #tpu.memory_space<any>> -> memref<512x1024xf32, #tpu.memory_space<any>>
    %dma_start3A_358 = arith.constant 1024 : i32
    %dma_start3A_359 = arith.constant 0 : i32
    %dma_start3A_360 = tpu.memref_slice %arg3[%dma_start3A_358, %dma_start3A_359] : memref<2048x1024xf32, #tpu.memory_space<vmem>> -> memref<512x1024xf32, #tpu.memory_space<vmem>>
    tpu.enqueue_dma source(%dma_start3A_360 : memref<512x1024xf32, #tpu.memory_space<vmem>>) target(%dma_start3A_357 : memref<512x1024xf32, #tpu.memory_space<any>>) target_semaphore(%arg7 : memref<!tpu.dma_semaphore, #tpu.memory_space<semaphore_mem>>)
    %dma_start3A_361 = arith.constant 4 : i32
    %dma_start3A_362 = arith.constant 1024 : i32
    %dma_start3A_363 = arith.constant 0 : i32
    %dma_start3A_364 = tpu.memref_slice %arg2[%dma_start3A_361, %dma_start3A_362, %dma_start3A_363] : memref<16x2048x1024xf32, #tpu.memory_space<any>> -> memref<1x512x1024xf32, #tpu.memory_space<any>>
    %dma_start3A_365 = tpu.memref_squeeze %dma_start3A_364 : memref<1x512x1024xf32, #tpu.memory_space<any>> -> memref<512x1024xf32, #tpu.memory_space<any>>
    %dma_start3A_366 = arith.constant 1024 : i32
    %dma_start3A_367 = arith.constant 0 : i32
    %dma_start3A_368 = tpu.memref_slice %arg3[%dma_start3A_366, %dma_start3A_367] : memref<2048x1024xf32, #tpu.memory_space<vmem>> -> memref<512x1024xf32, #tpu.memory_space<vmem>>
    tpu.enqueue_dma source(%dma_start3A_368 : memref<512x1024xf32, #tpu.memory_space<vmem>>) target(%dma_start3A_365 : memref<512x1024xf32, #tpu.memory_space<any>>) target_semaphore(%arg4 : memref<!tpu.dma_semaphore, #tpu.memory_space<semaphore_mem>>)
    %dma_start3A_369 = arith.constant 5 : i32
    %dma_start3A_370 = arith.constant 1024 : i32
    %dma_start3A_371 = arith.constant 0 : i32
    %dma_start3A_372 = tpu.memref_slice %arg2[%dma_start3A_369, %dma_start3A_370, %dma_start3A_371] : memref<16x2048x1024xf32, #tpu.memory_space<any>> -> memref<1x512x1024xf32, #tpu.memory_space<any>>
    %dma_start3A_373 = tpu.memref_squeeze %dma_start3A_372 : memref<1x512x1024xf32, #tpu.memory_space<any>> -> memref<512x1024xf32, #tpu.memory_space<any>>
    %dma_start3A_374 = arith.constant 1024 : i32
    %dma_start3A_375 = arith.constant 0 : i32
    %dma_start3A_376 = tpu.memref_slice %arg3[%dma_start3A_374, %dma_start3A_375] : memref<2048x1024xf32, #tpu.memory_space<vmem>> -> memref<512x1024xf32, #tpu.memory_space<vmem>>
    tpu.enqueue_dma source(%dma_start3A_376 : memref<512x1024xf32, #tpu.memory_space<vmem>>) target(%dma_start3A_373 : memref<512x1024xf32, #tpu.memory_space<any>>) target_semaphore(%arg5 : memref<!tpu.dma_semaphore, #tpu.memory_space<semaphore_mem>>)
    %dma_start3A_377 = arith.constant 6 : i32
    %dma_start3A_378 = arith.constant 1024 : i32
    %dma_start3A_379 = arith.constant 0 : i32
    %dma_start3A_380 = tpu.memref_slice %arg2[%dma_start3A_377, %dma_start3A_378, %dma_start3A_379] : memref<16x2048x1024xf32, #tpu.memory_space<any>> -> memref<1x512x1024xf32, #tpu.memory_space<any>>
    %dma_start3A_381 = tpu.memref_squeeze %dma_start3A_380 : memref<1x512x1024xf32, #tpu.memory_space<any>> -> memref<512x1024xf32, #tpu.memory_space<any>>
    %dma_start3A_382 = arith.constant 1024 : i32
    %dma_start3A_383 = arith.constant 0 : i32
    %dma_start3A_384 = tpu.memref_slice %arg3[%dma_start3A_382, %dma_start3A_383] : memref<2048x1024xf32, #tpu.memory_space<vmem>> -> memref<512x1024xf32, #tpu.memory_space<vmem>>
    tpu.enqueue_dma source(%dma_start3A_384 : memref<512x1024xf32, #tpu.memory_space<vmem>>) target(%dma_start3A_381 : memref<512x1024xf32, #tpu.memory_space<any>>) target_semaphore(%arg6 : memref<!tpu.dma_semaphore, #tpu.memory_space<semaphore_mem>>)
    %dma_start3A_385 = arith.constant 7 : i32
    %dma_start3A_386 = arith.constant 1024 : i32
    %dma_start3A_387 = arith.constant 0 : i32
    %dma_start3A_388 = tpu.memref_slice %arg2[%dma_start3A_385, %dma_start3A_386, %dma_start3A_387] : memref<16x2048x1024xf32, #tpu.memory_space<any>> -> memref<1x512x1024xf32, #tpu.memory_space<any>>
    %dma_start3A_389 = tpu.memref_squeeze %dma_start3A_388 : memref<1x512x1024xf32, #tpu.memory_space<any>> -> memref<512x1024xf32, #tpu.memory_space<any>>
    %dma_start3A_390 = arith.constant 1024 : i32
    %dma_start3A_391 = arith.constant 0 : i32
    %dma_start3A_392 = tpu.memref_slice %arg3[%dma_start3A_390, %dma_start3A_391] : memref<2048x1024xf32, #tpu.memory_space<vmem>> -> memref<512x1024xf32, #tpu.memory_space<vmem>>
    tpu.enqueue_dma source(%dma_start3A_392 : memref<512x1024xf32, #tpu.memory_space<vmem>>) target(%dma_start3A_389 : memref<512x1024xf32, #tpu.memory_space<any>>) target_semaphore(%arg7 : memref<!tpu.dma_semaphore, #tpu.memory_space<semaphore_mem>>)
    %dma_start3A_393 = arith.constant 8 : i32
    %dma_start3A_394 = arith.constant 1024 : i32
    %dma_start3A_395 = arith.constant 0 : i32
    %dma_start3A_396 = tpu.memref_slice %arg2[%dma_start3A_393, %dma_start3A_394, %dma_start3A_395] : memref<16x2048x1024xf32, #tpu.memory_space<any>> -> memref<1x512x1024xf32, #tpu.memory_space<any>>
    %dma_start3A_397 = tpu.memref_squeeze %dma_start3A_396 : memref<1x512x1024xf32, #tpu.memory_space<any>> -> memref<512x1024xf32, #tpu.memory_space<any>>
    %dma_start3A_398 = arith.constant 1024 : i32
    %dma_start3A_399 = arith.constant 0 : i32
    %dma_start3A_400 = tpu.memref_slice %arg3[%dma_start3A_398, %dma_start3A_399] : memref<2048x1024xf32, #tpu.memory_space<vmem>> -> memref<512x1024xf32, #tpu.memory_space<vmem>>
    tpu.enqueue_dma source(%dma_start3A_400 : memref<512x1024xf32, #tpu.memory_space<vmem>>) target(%dma_start3A_397 : memref<512x1024xf32, #tpu.memory_space<any>>) target_semaphore(%arg4 : memref<!tpu.dma_semaphore, #tpu.memory_space<semaphore_mem>>)
    %dma_start3A_401 = arith.constant 9 : i32
    %dma_start3A_402 = arith.constant 1024 : i32
    %dma_start3A_403 = arith.constant 0 : i32
    %dma_start3A_404 = tpu.memref_slice %arg2[%dma_start3A_401, %dma_start3A_402, %dma_start3A_403] : memref<16x2048x1024xf32, #tpu.memory_space<any>> -> memref<1x512x1024xf32, #tpu.memory_space<any>>
    %dma_start3A_405 = tpu.memref_squeeze %dma_start3A_404 : memref<1x512x1024xf32, #tpu.memory_space<any>> -> memref<512x1024xf32, #tpu.memory_space<any>>
    %dma_start3A_406 = arith.constant 1024 : i32
    %dma_start3A_407 = arith.constant 0 : i32
    %dma_start3A_408 = tpu.memref_slice %arg3[%dma_start3A_406, %dma_start3A_407] : memref<2048x1024xf32, #tpu.memory_space<vmem>> -> memref<512x1024xf32, #tpu.memory_space<vmem>>
    tpu.enqueue_dma source(%dma_start3A_408 : memref<512x1024xf32, #tpu.memory_space<vmem>>) target(%dma_start3A_405 : memref<512x1024xf32, #tpu.memory_space<any>>) target_semaphore(%arg5 : memref<!tpu.dma_semaphore, #tpu.memory_space<semaphore_mem>>)
    %dma_start3A_409 = arith.constant 10 : i32
    %dma_start3A_410 = arith.constant 1024 : i32
    %dma_start3A_411 = arith.constant 0 : i32
    %dma_start3A_412 = tpu.memref_slice %arg2[%dma_start3A_409, %dma_start3A_410, %dma_start3A_411] : memref<16x2048x1024xf32, #tpu.memory_space<any>> -> memref<1x512x1024xf32, #tpu.memory_space<any>>
    %dma_start3A_413 = tpu.memref_squeeze %dma_start3A_412 : memref<1x512x1024xf32, #tpu.memory_space<any>> -> memref<512x1024xf32, #tpu.memory_space<any>>
    %dma_start3A_414 = arith.constant 1024 : i32
    %dma_start3A_415 = arith.constant 0 : i32
    %dma_start3A_416 = tpu.memref_slice %arg3[%dma_start3A_414, %dma_start3A_415] : memref<2048x1024xf32, #tpu.memory_space<vmem>> -> memref<512x1024xf32, #tpu.memory_space<vmem>>
    tpu.enqueue_dma source(%dma_start3A_416 : memref<512x1024xf32, #tpu.memory_space<vmem>>) target(%dma_start3A_413 : memref<512x1024xf32, #tpu.memory_space<any>>) target_semaphore(%arg6 : memref<!tpu.dma_semaphore, #tpu.memory_space<semaphore_mem>>)
    %dma_start3A_417 = arith.constant 11 : i32
    %dma_start3A_418 = arith.constant 1024 : i32
    %dma_start3A_419 = arith.constant 0 : i32
    %dma_start3A_420 = tpu.memref_slice %arg2[%dma_start3A_417, %dma_start3A_418, %dma_start3A_419] : memref<16x2048x1024xf32, #tpu.memory_space<any>> -> memref<1x512x1024xf32, #tpu.memory_space<any>>
    %dma_start3A_421 = tpu.memref_squeeze %dma_start3A_420 : memref<1x512x1024xf32, #tpu.memory_space<any>> -> memref<512x1024xf32, #tpu.memory_space<any>>
    %dma_start3A_422 = arith.constant 1024 : i32
    %dma_start3A_423 = arith.constant 0 : i32
    %dma_start3A_424 = tpu.memref_slice %arg3[%dma_start3A_422, %dma_start3A_423] : memref<2048x1024xf32, #tpu.memory_space<vmem>> -> memref<512x1024xf32, #tpu.memory_space<vmem>>
    tpu.enqueue_dma source(%dma_start3A_424 : memref<512x1024xf32, #tpu.memory_space<vmem>>) target(%dma_start3A_421 : memref<512x1024xf32, #tpu.memory_space<any>>) target_semaphore(%arg7 : memref<!tpu.dma_semaphore, #tpu.memory_space<semaphore_mem>>)
    %dma_start3A_425 = arith.constant 12 : i32
    %dma_start3A_426 = arith.constant 1024 : i32
    %dma_start3A_427 = arith.constant 0 : i32
    %dma_start3A_428 = tpu.memref_slice %arg2[%dma_start3A_425, %dma_start3A_426, %dma_start3A_427] : memref<16x2048x1024xf32, #tpu.memory_space<any>> -> memref<1x512x1024xf32, #tpu.memory_space<any>>
    %dma_start3A_429 = tpu.memref_squeeze %dma_start3A_428 : memref<1x512x1024xf32, #tpu.memory_space<any>> -> memref<512x1024xf32, #tpu.memory_space<any>>
    %dma_start3A_430 = arith.constant 1024 : i32
    %dma_start3A_431 = arith.constant 0 : i32
    %dma_start3A_432 = tpu.memref_slice %arg3[%dma_start3A_430, %dma_start3A_431] : memref<2048x1024xf32, #tpu.memory_space<vmem>> -> memref<512x1024xf32, #tpu.memory_space<vmem>>
    tpu.enqueue_dma source(%dma_start3A_432 : memref<512x1024xf32, #tpu.memory_space<vmem>>) target(%dma_start3A_429 : memref<512x1024xf32, #tpu.memory_space<any>>) target_semaphore(%arg4 : memref<!tpu.dma_semaphore, #tpu.memory_space<semaphore_mem>>)
    %dma_start3A_433 = arith.constant 13 : i32
    %dma_start3A_434 = arith.constant 1024 : i32
    %dma_start3A_435 = arith.constant 0 : i32
    %dma_start3A_436 = tpu.memref_slice %arg2[%dma_start3A_433, %dma_start3A_434, %dma_start3A_435] : memref<16x2048x1024xf32, #tpu.memory_space<any>> -> memref<1x512x1024xf32, #tpu.memory_space<any>>
    %dma_start3A_437 = tpu.memref_squeeze %dma_start3A_436 : memref<1x512x1024xf32, #tpu.memory_space<any>> -> memref<512x1024xf32, #tpu.memory_space<any>>
    %dma_start3A_438 = arith.constant 1024 : i32
    %dma_start3A_439 = arith.constant 0 : i32
    %dma_start3A_440 = tpu.memref_slice %arg3[%dma_start3A_438, %dma_start3A_439] : memref<2048x1024xf32, #tpu.memory_space<vmem>> -> memref<512x1024xf32, #tpu.memory_space<vmem>>
    tpu.enqueue_dma source(%dma_start3A_440 : memref<512x1024xf32, #tpu.memory_space<vmem>>) target(%dma_start3A_437 : memref<512x1024xf32, #tpu.memory_space<any>>) target_semaphore(%arg5 : memref<!tpu.dma_semaphore, #tpu.memory_space<semaphore_mem>>)
    %dma_start3A_441 = arith.constant 14 : i32
    %dma_start3A_442 = arith.constant 1024 : i32
    %dma_start3A_443 = arith.constant 0 : i32
    %dma_start3A_444 = tpu.memref_slice %arg2[%dma_start3A_441, %dma_start3A_442, %dma_start3A_443] : memref<16x2048x1024xf32, #tpu.memory_space<any>> -> memref<1x512x1024xf32, #tpu.memory_space<any>>
    %dma_start3A_445 = tpu.memref_squeeze %dma_start3A_444 : memref<1x512x1024xf32, #tpu.memory_space<any>> -> memref<512x1024xf32, #tpu.memory_space<any>>
    %dma_start3A_446 = arith.constant 1024 : i32
    %dma_start3A_447 = arith.constant 0 : i32
    %dma_start3A_448 = tpu.memref_slice %arg3[%dma_start3A_446, %dma_start3A_447] : memref<2048x1024xf32, #tpu.memory_space<vmem>> -> memref<512x1024xf32, #tpu.memory_space<vmem>>
    tpu.enqueue_dma source(%dma_start3A_448 : memref<512x1024xf32, #tpu.memory_space<vmem>>) target(%dma_start3A_445 : memref<512x1024xf32, #tpu.memory_space<any>>) target_semaphore(%arg6 : memref<!tpu.dma_semaphore, #tpu.memory_space<semaphore_mem>>)
    %dma_start3A_449 = arith.constant 15 : i32
    %dma_start3A_450 = arith.constant 1024 : i32
    %dma_start3A_451 = arith.constant 0 : i32
    %dma_start3A_452 = tpu.memref_slice %arg2[%dma_start3A_449, %dma_start3A_450, %dma_start3A_451] : memref<16x2048x1024xf32, #tpu.memory_space<any>> -> memref<1x512x1024xf32, #tpu.memory_space<any>>
    %dma_start3A_453 = tpu.memref_squeeze %dma_start3A_452 : memref<1x512x1024xf32, #tpu.memory_space<any>> -> memref<512x1024xf32, #tpu.memory_space<any>>
    %dma_start3A_454 = arith.constant 1024 : i32
    %dma_start3A_455 = arith.constant 0 : i32
    %dma_start3A_456 = tpu.memref_slice %arg3[%dma_start3A_454, %dma_start3A_455] : memref<2048x1024xf32, #tpu.memory_space<vmem>> -> memref<512x1024xf32, #tpu.memory_space<vmem>>
    tpu.enqueue_dma source(%dma_start3A_456 : memref<512x1024xf32, #tpu.memory_space<vmem>>) target(%dma_start3A_453 : memref<512x1024xf32, #tpu.memory_space<any>>) target_semaphore(%arg7 : memref<!tpu.dma_semaphore, #tpu.memory_space<semaphore_mem>>)
    %dma_wait3A = arith.constant 0 : i32
    %dma_wait3A_457 = arith.constant 0 : i32
    %dma_wait3A_458 = arith.constant 0 : i32
    %dma_wait3A_459 = tpu.memref_slice %arg2[%dma_wait3A, %dma_wait3A_457, %dma_wait3A_458] : memref<16x2048x1024xf32, #tpu.memory_space<any>> -> memref<1x512x1024xf32, #tpu.memory_space<any>>
    %dma_wait3A_460 = tpu.memref_squeeze %dma_wait3A_459 : memref<1x512x1024xf32, #tpu.memory_space<any>> -> memref<512x1024xf32, #tpu.memory_space<any>>
    %dma_wait3A_461 = arith.constant 0 : i32
    %dma_wait3A_462 = arith.constant 0 : i32
    %dma_wait3A_463 = tpu.memref_slice %arg3[%dma_wait3A_461, %dma_wait3A_462] : memref<2048x1024xf32, #tpu.memory_space<vmem>> -> memref<512x1024xf32, #tpu.memory_space<vmem>>
    tpu.wait_dma2 semaphore(%arg4 : memref<!tpu.dma_semaphore, #tpu.memory_space<semaphore_mem>>) src(%dma_wait3A_463 : memref<512x1024xf32, #tpu.memory_space<vmem>>) dst(%dma_wait3A_460 : memref<512x1024xf32, #tpu.memory_space<any>>)
    %dma_wait3A_464 = arith.constant 1 : i32
    %dma_wait3A_465 = arith.constant 0 : i32
    %dma_wait3A_466 = arith.constant 0 : i32
    %dma_wait3A_467 = tpu.memref_slice %arg2[%dma_wait3A_464, %dma_wait3A_465, %dma_wait3A_466] : memref<16x2048x1024xf32, #tpu.memory_space<any>> -> memref<1x512x1024xf32, #tpu.memory_space<any>>
    %dma_wait3A_468 = tpu.memref_squeeze %dma_wait3A_467 : memref<1x512x1024xf32, #tpu.memory_space<any>> -> memref<512x1024xf32, #tpu.memory_space<any>>
    %dma_wait3A_469 = arith.constant 0 : i32
    %dma_wait3A_470 = arith.constant 0 : i32
    %dma_wait3A_471 = tpu.memref_slice %arg3[%dma_wait3A_469, %dma_wait3A_470] : memref<2048x1024xf32, #tpu.memory_space<vmem>> -> memref<512x1024xf32, #tpu.memory_space<vmem>>
    tpu.wait_dma2 semaphore(%arg5 : memref<!tpu.dma_semaphore, #tpu.memory_space<semaphore_mem>>) src(%dma_wait3A_471 : memref<512x1024xf32, #tpu.memory_space<vmem>>) dst(%dma_wait3A_468 : memref<512x1024xf32, #tpu.memory_space<any>>)
    %dma_wait3A_472 = arith.constant 2 : i32
    %dma_wait3A_473 = arith.constant 0 : i32
    %dma_wait3A_474 = arith.constant 0 : i32
    %dma_wait3A_475 = tpu.memref_slice %arg2[%dma_wait3A_472, %dma_wait3A_473, %dma_wait3A_474] : memref<16x2048x1024xf32, #tpu.memory_space<any>> -> memref<1x512x1024xf32, #tpu.memory_space<any>>
    %dma_wait3A_476 = tpu.memref_squeeze %dma_wait3A_475 : memref<1x512x1024xf32, #tpu.memory_space<any>> -> memref<512x1024xf32, #tpu.memory_space<any>>
    %dma_wait3A_477 = arith.constant 0 : i32
    %dma_wait3A_478 = arith.constant 0 : i32
    %dma_wait3A_479 = tpu.memref_slice %arg3[%dma_wait3A_477, %dma_wait3A_478] : memref<2048x1024xf32, #tpu.memory_space<vmem>> -> memref<512x1024xf32, #tpu.memory_space<vmem>>
    tpu.wait_dma2 semaphore(%arg6 : memref<!tpu.dma_semaphore, #tpu.memory_space<semaphore_mem>>) src(%dma_wait3A_479 : memref<512x1024xf32, #tpu.memory_space<vmem>>) dst(%dma_wait3A_476 : memref<512x1024xf32, #tpu.memory_space<any>>)
    %dma_wait3A_480 = arith.constant 3 : i32
    %dma_wait3A_481 = arith.constant 0 : i32
    %dma_wait3A_482 = arith.constant 0 : i32
    %dma_wait3A_483 = tpu.memref_slice %arg2[%dma_wait3A_480, %dma_wait3A_481, %dma_wait3A_482] : memref<16x2048x1024xf32, #tpu.memory_space<any>> -> memref<1x512x1024xf32, #tpu.memory_space<any>>
    %dma_wait3A_484 = tpu.memref_squeeze %dma_wait3A_483 : memref<1x512x1024xf32, #tpu.memory_space<any>> -> memref<512x1024xf32, #tpu.memory_space<any>>
    %dma_wait3A_485 = arith.constant 0 : i32
    %dma_wait3A_486 = arith.constant 0 : i32
    %dma_wait3A_487 = tpu.memref_slice %arg3[%dma_wait3A_485, %dma_wait3A_486] : memref<2048x1024xf32, #tpu.memory_space<vmem>> -> memref<512x1024xf32, #tpu.memory_space<vmem>>
    tpu.wait_dma2 semaphore(%arg7 : memref<!tpu.dma_semaphore, #tpu.memory_space<semaphore_mem>>) src(%dma_wait3A_487 : memref<512x1024xf32, #tpu.memory_space<vmem>>) dst(%dma_wait3A_484 : memref<512x1024xf32, #tpu.memory_space<any>>)
    %dma_wait3A_488 = arith.constant 4 : i32
    %dma_wait3A_489 = arith.constant 0 : i32
    %dma_wait3A_490 = arith.constant 0 : i32
    %dma_wait3A_491 = tpu.memref_slice %arg2[%dma_wait3A_488, %dma_wait3A_489, %dma_wait3A_490] : memref<16x2048x1024xf32, #tpu.memory_space<any>> -> memref<1x512x1024xf32, #tpu.memory_space<any>>
    %dma_wait3A_492 = tpu.memref_squeeze %dma_wait3A_491 : memref<1x512x1024xf32, #tpu.memory_space<any>> -> memref<512x1024xf32, #tpu.memory_space<any>>
    %dma_wait3A_493 = arith.constant 0 : i32
    %dma_wait3A_494 = arith.constant 0 : i32
    %dma_wait3A_495 = tpu.memref_slice %arg3[%dma_wait3A_493, %dma_wait3A_494] : memref<2048x1024xf32, #tpu.memory_space<vmem>> -> memref<512x1024xf32, #tpu.memory_space<vmem>>
    tpu.wait_dma2 semaphore(%arg4 : memref<!tpu.dma_semaphore, #tpu.memory_space<semaphore_mem>>) src(%dma_wait3A_495 : memref<512x1024xf32, #tpu.memory_space<vmem>>) dst(%dma_wait3A_492 : memref<512x1024xf32, #tpu.memory_space<any>>)
    %dma_wait3A_496 = arith.constant 5 : i32
    %dma_wait3A_497 = arith.constant 0 : i32
    %dma_wait3A_498 = arith.constant 0 : i32
    %dma_wait3A_499 = tpu.memref_slice %arg2[%dma_wait3A_496, %dma_wait3A_497, %dma_wait3A_498] : memref<16x2048x1024xf32, #tpu.memory_space<any>> -> memref<1x512x1024xf32, #tpu.memory_space<any>>
    %dma_wait3A_500 = tpu.memref_squeeze %dma_wait3A_499 : memref<1x512x1024xf32, #tpu.memory_space<any>> -> memref<512x1024xf32, #tpu.memory_space<any>>
    %dma_wait3A_501 = arith.constant 0 : i32
    %dma_wait3A_502 = arith.constant 0 : i32
    %dma_wait3A_503 = tpu.memref_slice %arg3[%dma_wait3A_501, %dma_wait3A_502] : memref<2048x1024xf32, #tpu.memory_space<vmem>> -> memref<512x1024xf32, #tpu.memory_space<vmem>>
    tpu.wait_dma2 semaphore(%arg5 : memref<!tpu.dma_semaphore, #tpu.memory_space<semaphore_mem>>) src(%dma_wait3A_503 : memref<512x1024xf32, #tpu.memory_space<vmem>>) dst(%dma_wait3A_500 : memref<512x1024xf32, #tpu.memory_space<any>>)
    %dma_wait3A_504 = arith.constant 6 : i32
    %dma_wait3A_505 = arith.constant 0 : i32
    %dma_wait3A_506 = arith.constant 0 : i32
    %dma_wait3A_507 = tpu.memref_slice %arg2[%dma_wait3A_504, %dma_wait3A_505, %dma_wait3A_506] : memref<16x2048x1024xf32, #tpu.memory_space<any>> -> memref<1x512x1024xf32, #tpu.memory_space<any>>
    %dma_wait3A_508 = tpu.memref_squeeze %dma_wait3A_507 : memref<1x512x1024xf32, #tpu.memory_space<any>> -> memref<512x1024xf32, #tpu.memory_space<any>>
    %dma_wait3A_509 = arith.constant 0 : i32
    %dma_wait3A_510 = arith.constant 0 : i32
    %dma_wait3A_511 = tpu.memref_slice %arg3[%dma_wait3A_509, %dma_wait3A_510] : memref<2048x1024xf32, #tpu.memory_space<vmem>> -> memref<512x1024xf32, #tpu.memory_space<vmem>>
    tpu.wait_dma2 semaphore(%arg6 : memref<!tpu.dma_semaphore, #tpu.memory_space<semaphore_mem>>) src(%dma_wait3A_511 : memref<512x1024xf32, #tpu.memory_space<vmem>>) dst(%dma_wait3A_508 : memref<512x1024xf32, #tpu.memory_space<any>>)
    %dma_wait3A_512 = arith.constant 7 : i32
    %dma_wait3A_513 = arith.constant 0 : i32
    %dma_wait3A_514 = arith.constant 0 : i32
    %dma_wait3A_515 = tpu.memref_slice %arg2[%dma_wait3A_512, %dma_wait3A_513, %dma_wait3A_514] : memref<16x2048x1024xf32, #tpu.memory_space<any>> -> memref<1x512x1024xf32, #tpu.memory_space<any>>
    %dma_wait3A_516 = tpu.memref_squeeze %dma_wait3A_515 : memref<1x512x1024xf32, #tpu.memory_space<any>> -> memref<512x1024xf32, #tpu.memory_space<any>>
    %dma_wait3A_517 = arith.constant 0 : i32
    %dma_wait3A_518 = arith.constant 0 : i32
    %dma_wait3A_519 = tpu.memref_slice %arg3[%dma_wait3A_517, %dma_wait3A_518] : memref<2048x1024xf32, #tpu.memory_space<vmem>> -> memref<512x1024xf32, #tpu.memory_space<vmem>>
    tpu.wait_dma2 semaphore(%arg7 : memref<!tpu.dma_semaphore, #tpu.memory_space<semaphore_mem>>) src(%dma_wait3A_519 : memref<512x1024xf32, #tpu.memory_space<vmem>>) dst(%dma_wait3A_516 : memref<512x1024xf32, #tpu.memory_space<any>>)
    %dma_wait3A_520 = arith.constant 8 : i32
    %dma_wait3A_521 = arith.constant 0 : i32
    %dma_wait3A_522 = arith.constant 0 : i32
    %dma_wait3A_523 = tpu.memref_slice %arg2[%dma_wait3A_520, %dma_wait3A_521, %dma_wait3A_522] : memref<16x2048x1024xf32, #tpu.memory_space<any>> -> memref<1x512x1024xf32, #tpu.memory_space<any>>
    %dma_wait3A_524 = tpu.memref_squeeze %dma_wait3A_523 : memref<1x512x1024xf32, #tpu.memory_space<any>> -> memref<512x1024xf32, #tpu.memory_space<any>>
    %dma_wait3A_525 = arith.constant 0 : i32
    %dma_wait3A_526 = arith.constant 0 : i32
    %dma_wait3A_527 = tpu.memref_slice %arg3[%dma_wait3A_525, %dma_wait3A_526] : memref<2048x1024xf32, #tpu.memory_space<vmem>> -> memref<512x1024xf32, #tpu.memory_space<vmem>>
    tpu.wait_dma2 semaphore(%arg4 : memref<!tpu.dma_semaphore, #tpu.memory_space<semaphore_mem>>) src(%dma_wait3A_527 : memref<512x1024xf32, #tpu.memory_space<vmem>>) dst(%dma_wait3A_524 : memref<512x1024xf32, #tpu.memory_space<any>>)
    %dma_wait3A_528 = arith.constant 9 : i32
    %dma_wait3A_529 = arith.constant 0 : i32
    %dma_wait3A_530 = arith.constant 0 : i32
    %dma_wait3A_531 = tpu.memref_slice %arg2[%dma_wait3A_528, %dma_wait3A_529, %dma_wait3A_530] : memref<16x2048x1024xf32, #tpu.memory_space<any>> -> memref<1x512x1024xf32, #tpu.memory_space<any>>
    %dma_wait3A_532 = tpu.memref_squeeze %dma_wait3A_531 : memref<1x512x1024xf32, #tpu.memory_space<any>> -> memref<512x1024xf32, #tpu.memory_space<any>>
    %dma_wait3A_533 = arith.constant 0 : i32
    %dma_wait3A_534 = arith.constant 0 : i32
    %dma_wait3A_535 = tpu.memref_slice %arg3[%dma_wait3A_533, %dma_wait3A_534] : memref<2048x1024xf32, #tpu.memory_space<vmem>> -> memref<512x1024xf32, #tpu.memory_space<vmem>>
    tpu.wait_dma2 semaphore(%arg5 : memref<!tpu.dma_semaphore, #tpu.memory_space<semaphore_mem>>) src(%dma_wait3A_535 : memref<512x1024xf32, #tpu.memory_space<vmem>>) dst(%dma_wait3A_532 : memref<512x1024xf32, #tpu.memory_space<any>>)
    %dma_wait3A_536 = arith.constant 10 : i32
    %dma_wait3A_537 = arith.constant 0 : i32
    %dma_wait3A_538 = arith.constant 0 : i32
    %dma_wait3A_539 = tpu.memref_slice %arg2[%dma_wait3A_536, %dma_wait3A_537, %dma_wait3A_538] : memref<16x2048x1024xf32, #tpu.memory_space<any>> -> memref<1x512x1024xf32, #tpu.memory_space<any>>
    %dma_wait3A_540 = tpu.memref_squeeze %dma_wait3A_539 : memref<1x512x1024xf32, #tpu.memory_space<any>> -> memref<512x1024xf32, #tpu.memory_space<any>>
    %dma_wait3A_541 = arith.constant 0 : i32
    %dma_wait3A_542 = arith.constant 0 : i32
    %dma_wait3A_543 = tpu.memref_slice %arg3[%dma_wait3A_541, %dma_wait3A_542] : memref<2048x1024xf32, #tpu.memory_space<vmem>> -> memref<512x1024xf32, #tpu.memory_space<vmem>>
    tpu.wait_dma2 semaphore(%arg6 : memref<!tpu.dma_semaphore, #tpu.memory_space<semaphore_mem>>) src(%dma_wait3A_543 : memref<512x1024xf32, #tpu.memory_space<vmem>>) dst(%dma_wait3A_540 : memref<512x1024xf32, #tpu.memory_space<any>>)
    %dma_wait3A_544 = arith.constant 11 : i32
    %dma_wait3A_545 = arith.constant 0 : i32
    %dma_wait3A_546 = arith.constant 0 : i32
    %dma_wait3A_547 = tpu.memref_slice %arg2[%dma_wait3A_544, %dma_wait3A_545, %dma_wait3A_546] : memref<16x2048x1024xf32, #tpu.memory_space<any>> -> memref<1x512x1024xf32, #tpu.memory_space<any>>
    %dma_wait3A_548 = tpu.memref_squeeze %dma_wait3A_547 : memref<1x512x1024xf32, #tpu.memory_space<any>> -> memref<512x1024xf32, #tpu.memory_space<any>>
    %dma_wait3A_549 = arith.constant 0 : i32
    %dma_wait3A_550 = arith.constant 0 : i32
    %dma_wait3A_551 = tpu.memref_slice %arg3[%dma_wait3A_549, %dma_wait3A_550] : memref<2048x1024xf32, #tpu.memory_space<vmem>> -> memref<512x1024xf32, #tpu.memory_space<vmem>>
    tpu.wait_dma2 semaphore(%arg7 : memref<!tpu.dma_semaphore, #tpu.memory_space<semaphore_mem>>) src(%dma_wait3A_551 : memref<512x1024xf32, #tpu.memory_space<vmem>>) dst(%dma_wait3A_548 : memref<512x1024xf32, #tpu.memory_space<any>>)
    %dma_wait3A_552 = arith.constant 12 : i32
    %dma_wait3A_553 = arith.constant 0 : i32
    %dma_wait3A_554 = arith.constant 0 : i32
    %dma_wait3A_555 = tpu.memref_slice %arg2[%dma_wait3A_552, %dma_wait3A_553, %dma_wait3A_554] : memref<16x2048x1024xf32, #tpu.memory_space<any>> -> memref<1x512x1024xf32, #tpu.memory_space<any>>
    %dma_wait3A_556 = tpu.memref_squeeze %dma_wait3A_555 : memref<1x512x1024xf32, #tpu.memory_space<any>> -> memref<512x1024xf32, #tpu.memory_space<any>>
    %dma_wait3A_557 = arith.constant 0 : i32
    %dma_wait3A_558 = arith.constant 0 : i32
    %dma_wait3A_559 = tpu.memref_slice %arg3[%dma_wait3A_557, %dma_wait3A_558] : memref<2048x1024xf32, #tpu.memory_space<vmem>> -> memref<512x1024xf32, #tpu.memory_space<vmem>>
    tpu.wait_dma2 semaphore(%arg4 : memref<!tpu.dma_semaphore, #tpu.memory_space<semaphore_mem>>) src(%dma_wait3A_559 : memref<512x1024xf32, #tpu.memory_space<vmem>>) dst(%dma_wait3A_556 : memref<512x1024xf32, #tpu.memory_space<any>>)
    %dma_wait3A_560 = arith.constant 13 : i32
    %dma_wait3A_561 = arith.constant 0 : i32
    %dma_wait3A_562 = arith.constant 0 : i32
    %dma_wait3A_563 = tpu.memref_slice %arg2[%dma_wait3A_560, %dma_wait3A_561, %dma_wait3A_562] : memref<16x2048x1024xf32, #tpu.memory_space<any>> -> memref<1x512x1024xf32, #tpu.memory_space<any>>
    %dma_wait3A_564 = tpu.memref_squeeze %dma_wait3A_563 : memref<1x512x1024xf32, #tpu.memory_space<any>> -> memref<512x1024xf32, #tpu.memory_space<any>>
    %dma_wait3A_565 = arith.constant 0 : i32
    %dma_wait3A_566 = arith.constant 0 : i32
    %dma_wait3A_567 = tpu.memref_slice %arg3[%dma_wait3A_565, %dma_wait3A_566] : memref<2048x1024xf32, #tpu.memory_space<vmem>> -> memref<512x1024xf32, #tpu.memory_space<vmem>>
    tpu.wait_dma2 semaphore(%arg5 : memref<!tpu.dma_semaphore, #tpu.memory_space<semaphore_mem>>) src(%dma_wait3A_567 : memref<512x1024xf32, #tpu.memory_space<vmem>>) dst(%dma_wait3A_564 : memref<512x1024xf32, #tpu.memory_space<any>>)
    %dma_wait3A_568 = arith.constant 14 : i32
    %dma_wait3A_569 = arith.constant 0 : i32
    %dma_wait3A_570 = arith.constant 0 : i32
    %dma_wait3A_571 = tpu.memref_slice %arg2[%dma_wait3A_568, %dma_wait3A_569, %dma_wait3A_570] : memref<16x2048x1024xf32, #tpu.memory_space<any>> -> memref<1x512x1024xf32, #tpu.memory_space<any>>
    %dma_wait3A_572 = tpu.memref_squeeze %dma_wait3A_571 : memref<1x512x1024xf32, #tpu.memory_space<any>> -> memref<512x1024xf32, #tpu.memory_space<any>>
    %dma_wait3A_573 = arith.constant 0 : i32
    %dma_wait3A_574 = arith.constant 0 : i32
    %dma_wait3A_575 = tpu.memref_slice %arg3[%dma_wait3A_573, %dma_wait3A_574] : memref<2048x1024xf32, #tpu.memory_space<vmem>> -> memref<512x1024xf32, #tpu.memory_space<vmem>>
    tpu.wait_dma2 semaphore(%arg6 : memref<!tpu.dma_semaphore, #tpu.memory_space<semaphore_mem>>) src(%dma_wait3A_575 : memref<512x1024xf32, #tpu.memory_space<vmem>>) dst(%dma_wait3A_572 : memref<512x1024xf32, #tpu.memory_space<any>>)
    %dma_wait3A_576 = arith.constant 15 : i32
    %dma_wait3A_577 = arith.constant 0 : i32
    %dma_wait3A_578 = arith.constant 0 : i32
    %dma_wait3A_579 = tpu.memref_slice %arg2[%dma_wait3A_576, %dma_wait3A_577, %dma_wait3A_578] : memref<16x2048x1024xf32, #tpu.memory_space<any>> -> memref<1x512x1024xf32, #tpu.memory_space<any>>
    %dma_wait3A_580 = tpu.memref_squeeze %dma_wait3A_579 : memref<1x512x1024xf32, #tpu.memory_space<any>> -> memref<512x1024xf32, #tpu.memory_space<any>>
    %dma_wait3A_581 = arith.constant 0 : i32
    %dma_wait3A_582 = arith.constant 0 : i32
    %dma_wait3A_583 = tpu.memref_slice %arg3[%dma_wait3A_581, %dma_wait3A_582] : memref<2048x1024xf32, #tpu.memory_space<vmem>> -> memref<512x1024xf32, #tpu.memory_space<vmem>>
    tpu.wait_dma2 semaphore(%arg7 : memref<!tpu.dma_semaphore, #tpu.memory_space<semaphore_mem>>) src(%dma_wait3A_583 : memref<512x1024xf32, #tpu.memory_space<vmem>>) dst(%dma_wait3A_580 : memref<512x1024xf32, #tpu.memory_space<any>>)
    %get3A_584 = arith.constant 0 : index
    %get3A_585 = arith.constant 1536 : index
    %get3A_586 = vector.load %arg0[%get3A_584, %get3A_585] : memref<1x2048xi32, #tpu.memory_space<vmem>>, vector<1x512xi32>
    %iota3A_587 = tpu.iota {dimensions = array<i32: 0>} : vector<2048x512xi32>
    %eq3A_588 = vector.broadcast %get3A_586 : vector<1x512xi32> to vector<2048x512xi32>
    %eq3A_589 = arith.cmpi eq, %iota3A_587, %eq3A_588 : vector<2048x512xi32>
    %convert_element_type3A_590 = arith.extui %eq3A_589 : vector<2048x512xi1> to vector<2048x512xi32>
    %convert_element_type3A_591 = arith.sitofp %convert_element_type3A_590 : vector<2048x512xi32> to vector<2048x512xf32>
    %get3A_592 = arith.constant 0 : index
    %get3A_593 = arith.constant 0 : index
    %get3A_594 = vector.load %arg1[%get3A_592, %get3A_593] : memref<2048x1024xf32, #tpu.memory_space<vmem>>, vector<2048x1024xf32>
    %dot_general3A_595 = arith.constant dense<0.000000e+00> : vector<512x1024xf32>
    %dot_general3A_596 = tpu.matmul %convert_element_type3A_591, %get3A_594, %dot_general3A_595 {dimension_numbers = #tpu.dot_dimension_numbers<[0], [0], [1], [1], [0, 1, 1, 1], [], []>, transpose_lhs_hint = false} : vector<2048x512xf32>, vector<2048x1024xf32>, vector<512x1024xf32> -> vector<512x1024xf32>
    %broadcast_in_dim3A_597 = arith.constant 1.000000e+00 : f32
    %broadcast_in_dim3A_598 = vector.broadcast %broadcast_in_dim3A_597 : f32 to vector<2048x1xf32>
    %dot_general3A_599 = arith.constant dense<0.000000e+00> : vector<512x1xf32>
    %dot_general3A_600 = tpu.matmul %convert_element_type3A_591, %broadcast_in_dim3A_598, %dot_general3A_599 {dimension_numbers = #tpu.dot_dimension_numbers<[0], [0], [1], [1], [0, 1, 1, 1], [], []>, transpose_lhs_hint = false} : vector<2048x512xf32>, vector<2048x1xf32>, vector<512x1xf32> -> vector<512x1xf32>
    %gt3A_601 = arith.constant 5.000000e-01 : f32
    %gt3A_602 = vector.broadcast %gt3A_601 : f32 to vector<512x1xf32>
    %gt3A_603 = arith.cmpf ogt, %dot_general3A_600, %gt3A_602 : vector<512x1xf32>
    %jit3A_604 = arith.constant 0x7FC00000 : f32
    %broadcast_in_dim3A_605 = vector.shape_cast %gt3A_603 : vector<512x1xi1> to vector<512x1xi1>
    %broadcast_in_dim3A_606 = vector.broadcast %broadcast_in_dim3A_605 : vector<512x1xi1> to vector<512x1024xi1>
    %broadcast_in_dim3A_607 = vector.broadcast %jit3A_604 : f32 to vector<512x1024xf32>
    %select_n3A_608 = arith.select %broadcast_in_dim3A_606, %dot_general3A_596, %broadcast_in_dim3A_607 : vector<512x1024xi1>, vector<512x1024xf32>
    %swap3A_609 = arith.constant 1536 : index
    %swap3A_610 = arith.constant 0 : index
    %swap3A_611 = vector.load %arg3[%swap3A_609, %swap3A_610] : memref<2048x1024xf32, #tpu.memory_space<vmem>>, vector<512x1024xf32>
    tpu.vector_store %arg3[%swap3A_609, %swap3A_610], %select_n3A_608 {strides = array<i32>} : memref<2048x1024xf32, #tpu.memory_space<vmem>>, vector<512x1024xf32>,
    %dma_start3A_612 = arith.constant 0 : i32
    %dma_start3A_613 = arith.constant 1536 : i32
    %dma_start3A_614 = arith.constant 0 : i32
    %dma_start3A_615 = tpu.memref_slice %arg2[%dma_start3A_612, %dma_start3A_613, %dma_start3A_614] : memref<16x2048x1024xf32, #tpu.memory_space<any>> -> memref<1x512x1024xf32, #tpu.memory_space<any>>
    %dma_start3A_616 = tpu.memref_squeeze %dma_start3A_615 : memref<1x512x1024xf32, #tpu.memory_space<any>> -> memref<512x1024xf32, #tpu.memory_space<any>>
    %dma_start3A_617 = arith.constant 1536 : i32
    %dma_start3A_618 = arith.constant 0 : i32
    %dma_start3A_619 = tpu.memref_slice %arg3[%dma_start3A_617, %dma_start3A_618] : memref<2048x1024xf32, #tpu.memory_space<vmem>> -> memref<512x1024xf32, #tpu.memory_space<vmem>>
    tpu.enqueue_dma source(%dma_start3A_619 : memref<512x1024xf32, #tpu.memory_space<vmem>>) target(%dma_start3A_616 : memref<512x1024xf32, #tpu.memory_space<any>>) target_semaphore(%arg4 : memref<!tpu.dma_semaphore, #tpu.memory_space<semaphore_mem>>)
    %dma_start3A_620 = arith.constant 1 : i32
    %dma_start3A_621 = arith.constant 1536 : i32
    %dma_start3A_622 = arith.constant 0 : i32
    %dma_start3A_623 = tpu.memref_slice %arg2[%dma_start3A_620, %dma_start3A_621, %dma_start3A_622] : memref<16x2048x1024xf32, #tpu.memory_space<any>> -> memref<1x512x1024xf32, #tpu.memory_space<any>>
    %dma_start3A_624 = tpu.memref_squeeze %dma_start3A_623 : memref<1x512x1024xf32, #tpu.memory_space<any>> -> memref<512x1024xf32, #tpu.memory_space<any>>
    %dma_start3A_625 = arith.constant 1536 : i32
    %dma_start3A_626 = arith.constant 0 : i32
    %dma_start3A_627 = tpu.memref_slice %arg3[%dma_start3A_625, %dma_start3A_626] : memref<2048x1024xf32, #tpu.memory_space<vmem>> -> memref<512x1024xf32, #tpu.memory_space<vmem>>
    tpu.enqueue_dma source(%dma_start3A_627 : memref<512x1024xf32, #tpu.memory_space<vmem>>) target(%dma_start3A_624 : memref<512x1024xf32, #tpu.memory_space<any>>) target_semaphore(%arg5 : memref<!tpu.dma_semaphore, #tpu.memory_space<semaphore_mem>>)
    %dma_start3A_628 = arith.constant 2 : i32
    %dma_start3A_629 = arith.constant 1536 : i32
    %dma_start3A_630 = arith.constant 0 : i32
    %dma_start3A_631 = tpu.memref_slice %arg2[%dma_start3A_628, %dma_start3A_629, %dma_start3A_630] : memref<16x2048x1024xf32, #tpu.memory_space<any>> -> memref<1x512x1024xf32, #tpu.memory_space<any>>
    %dma_start3A_632 = tpu.memref_squeeze %dma_start3A_631 : memref<1x512x1024xf32, #tpu.memory_space<any>> -> memref<512x1024xf32, #tpu.memory_space<any>>
    %dma_start3A_633 = arith.constant 1536 : i32
    %dma_start3A_634 = arith.constant 0 : i32
    %dma_start3A_635 = tpu.memref_slice %arg3[%dma_start3A_633, %dma_start3A_634] : memref<2048x1024xf32, #tpu.memory_space<vmem>> -> memref<512x1024xf32, #tpu.memory_space<vmem>>
    tpu.enqueue_dma source(%dma_start3A_635 : memref<512x1024xf32, #tpu.memory_space<vmem>>) target(%dma_start3A_632 : memref<512x1024xf32, #tpu.memory_space<any>>) target_semaphore(%arg6 : memref<!tpu.dma_semaphore, #tpu.memory_space<semaphore_mem>>)
    %dma_start3A_636 = arith.constant 3 : i32
    %dma_start3A_637 = arith.constant 1536 : i32
    %dma_start3A_638 = arith.constant 0 : i32
    %dma_start3A_639 = tpu.memref_slice %arg2[%dma_start3A_636, %dma_start3A_637, %dma_start3A_638] : memref<16x2048x1024xf32, #tpu.memory_space<any>> -> memref<1x512x1024xf32, #tpu.memory_space<any>>
    %dma_start3A_640 = tpu.memref_squeeze %dma_start3A_639 : memref<1x512x1024xf32, #tpu.memory_space<any>> -> memref<512x1024xf32, #tpu.memory_space<any>>
    %dma_start3A_641 = arith.constant 1536 : i32
    %dma_start3A_642 = arith.constant 0 : i32
    %dma_start3A_643 = tpu.memref_slice %arg3[%dma_start3A_641, %dma_start3A_642] : memref<2048x1024xf32, #tpu.memory_space<vmem>> -> memref<512x1024xf32, #tpu.memory_space<vmem>>
    tpu.enqueue_dma source(%dma_start3A_643 : memref<512x1024xf32, #tpu.memory_space<vmem>>) target(%dma_start3A_640 : memref<512x1024xf32, #tpu.memory_space<any>>) target_semaphore(%arg7 : memref<!tpu.dma_semaphore, #tpu.memory_space<semaphore_mem>>)
    %dma_start3A_644 = arith.constant 4 : i32
    %dma_start3A_645 = arith.constant 1536 : i32
    %dma_start3A_646 = arith.constant 0 : i32
    %dma_start3A_647 = tpu.memref_slice %arg2[%dma_start3A_644, %dma_start3A_645, %dma_start3A_646] : memref<16x2048x1024xf32, #tpu.memory_space<any>> -> memref<1x512x1024xf32, #tpu.memory_space<any>>
    %dma_start3A_648 = tpu.memref_squeeze %dma_start3A_647 : memref<1x512x1024xf32, #tpu.memory_space<any>> -> memref<512x1024xf32, #tpu.memory_space<any>>
    %dma_start3A_649 = arith.constant 1536 : i32
    %dma_start3A_650 = arith.constant 0 : i32
    %dma_start3A_651 = tpu.memref_slice %arg3[%dma_start3A_649, %dma_start3A_650] : memref<2048x1024xf32, #tpu.memory_space<vmem>> -> memref<512x1024xf32, #tpu.memory_space<vmem>>
    tpu.enqueue_dma source(%dma_start3A_651 : memref<512x1024xf32, #tpu.memory_space<vmem>>) target(%dma_start3A_648 : memref<512x1024xf32, #tpu.memory_space<any>>) target_semaphore(%arg4 : memref<!tpu.dma_semaphore, #tpu.memory_space<semaphore_mem>>)
    %dma_start3A_652 = arith.constant 5 : i32
    %dma_start3A_653 = arith.constant 1536 : i32
    %dma_start3A_654 = arith.constant 0 : i32
    %dma_start3A_655 = tpu.memref_slice %arg2[%dma_start3A_652, %dma_start3A_653, %dma_start3A_654] : memref<16x2048x1024xf32, #tpu.memory_space<any>> -> memref<1x512x1024xf32, #tpu.memory_space<any>>
    %dma_start3A_656 = tpu.memref_squeeze %dma_start3A_655 : memref<1x512x1024xf32, #tpu.memory_space<any>> -> memref<512x1024xf32, #tpu.memory_space<any>>
    %dma_start3A_657 = arith.constant 1536 : i32
    %dma_start3A_658 = arith.constant 0 : i32
    %dma_start3A_659 = tpu.memref_slice %arg3[%dma_start3A_657, %dma_start3A_658] : memref<2048x1024xf32, #tpu.memory_space<vmem>> -> memref<512x1024xf32, #tpu.memory_space<vmem>>
    tpu.enqueue_dma source(%dma_start3A_659 : memref<512x1024xf32, #tpu.memory_space<vmem>>) target(%dma_start3A_656 : memref<512x1024xf32, #tpu.memory_space<any>>) target_semaphore(%arg5 : memref<!tpu.dma_semaphore, #tpu.memory_space<semaphore_mem>>)
    %dma_start3A_660 = arith.constant 6 : i32
    %dma_start3A_661 = arith.constant 1536 : i32
    %dma_start3A_662 = arith.constant 0 : i32
    %dma_start3A_663 = tpu.memref_slice %arg2[%dma_start3A_660, %dma_start3A_661, %dma_start3A_662] : memref<16x2048x1024xf32, #tpu.memory_space<any>> -> memref<1x512x1024xf32, #tpu.memory_space<any>>
    %dma_start3A_664 = tpu.memref_squeeze %dma_start3A_663 : memref<1x512x1024xf32, #tpu.memory_space<any>> -> memref<512x1024xf32, #tpu.memory_space<any>>
    %dma_start3A_665 = arith.constant 1536 : i32
    %dma_start3A_666 = arith.constant 0 : i32
    %dma_start3A_667 = tpu.memref_slice %arg3[%dma_start3A_665, %dma_start3A_666] : memref<2048x1024xf32, #tpu.memory_space<vmem>> -> memref<512x1024xf32, #tpu.memory_space<vmem>>
    tpu.enqueue_dma source(%dma_start3A_667 : memref<512x1024xf32, #tpu.memory_space<vmem>>) target(%dma_start3A_664 : memref<512x1024xf32, #tpu.memory_space<any>>) target_semaphore(%arg6 : memref<!tpu.dma_semaphore, #tpu.memory_space<semaphore_mem>>)
    %dma_start3A_668 = arith.constant 7 : i32
    %dma_start3A_669 = arith.constant 1536 : i32
    %dma_start3A_670 = arith.constant 0 : i32
    %dma_start3A_671 = tpu.memref_slice %arg2[%dma_start3A_668, %dma_start3A_669, %dma_start3A_670] : memref<16x2048x1024xf32, #tpu.memory_space<any>> -> memref<1x512x1024xf32, #tpu.memory_space<any>>
    %dma_start3A_672 = tpu.memref_squeeze %dma_start3A_671 : memref<1x512x1024xf32, #tpu.memory_space<any>> -> memref<512x1024xf32, #tpu.memory_space<any>>
    %dma_start3A_673 = arith.constant 1536 : i32
    %dma_start3A_674 = arith.constant 0 : i32
    %dma_start3A_675 = tpu.memref_slice %arg3[%dma_start3A_673, %dma_start3A_674] : memref<2048x1024xf32, #tpu.memory_space<vmem>> -> memref<512x1024xf32, #tpu.memory_space<vmem>>
    tpu.enqueue_dma source(%dma_start3A_675 : memref<512x1024xf32, #tpu.memory_space<vmem>>) target(%dma_start3A_672 : memref<512x1024xf32, #tpu.memory_space<any>>) target_semaphore(%arg7 : memref<!tpu.dma_semaphore, #tpu.memory_space<semaphore_mem>>)
    %dma_start3A_676 = arith.constant 8 : i32
    %dma_start3A_677 = arith.constant 1536 : i32
    %dma_start3A_678 = arith.constant 0 : i32
    %dma_start3A_679 = tpu.memref_slice %arg2[%dma_start3A_676, %dma_start3A_677, %dma_start3A_678] : memref<16x2048x1024xf32, #tpu.memory_space<any>> -> memref<1x512x1024xf32, #tpu.memory_space<any>>
    %dma_start3A_680 = tpu.memref_squeeze %dma_start3A_679 : memref<1x512x1024xf32, #tpu.memory_space<any>> -> memref<512x1024xf32, #tpu.memory_space<any>>
    %dma_start3A_681 = arith.constant 1536 : i32
    %dma_start3A_682 = arith.constant 0 : i32
    %dma_start3A_683 = tpu.memref_slice %arg3[%dma_start3A_681, %dma_start3A_682] : memref<2048x1024xf32, #tpu.memory_space<vmem>> -> memref<512x1024xf32, #tpu.memory_space<vmem>>
    tpu.enqueue_dma source(%dma_start3A_683 : memref<512x1024xf32, #tpu.memory_space<vmem>>) target(%dma_start3A_680 : memref<512x1024xf32, #tpu.memory_space<any>>) target_semaphore(%arg4 : memref<!tpu.dma_semaphore, #tpu.memory_space<semaphore_mem>>)
    %dma_start3A_684 = arith.constant 9 : i32
    %dma_start3A_685 = arith.constant 1536 : i32
    %dma_start3A_686 = arith.constant 0 : i32
    %dma_start3A_687 = tpu.memref_slice %arg2[%dma_start3A_684, %dma_start3A_685, %dma_start3A_686] : memref<16x2048x1024xf32, #tpu.memory_space<any>> -> memref<1x512x1024xf32, #tpu.memory_space<any>>
    %dma_start3A_688 = tpu.memref_squeeze %dma_start3A_687 : memref<1x512x1024xf32, #tpu.memory_space<any>> -> memref<512x1024xf32, #tpu.memory_space<any>>
    %dma_start3A_689 = arith.constant 1536 : i32
    %dma_start3A_690 = arith.constant 0 : i32
    %dma_start3A_691 = tpu.memref_slice %arg3[%dma_start3A_689, %dma_start3A_690] : memref<2048x1024xf32, #tpu.memory_space<vmem>> -> memref<512x1024xf32, #tpu.memory_space<vmem>>
    tpu.enqueue_dma source(%dma_start3A_691 : memref<512x1024xf32, #tpu.memory_space<vmem>>) target(%dma_start3A_688 : memref<512x1024xf32, #tpu.memory_space<any>>) target_semaphore(%arg5 : memref<!tpu.dma_semaphore, #tpu.memory_space<semaphore_mem>>)
    %dma_start3A_692 = arith.constant 10 : i32
    %dma_start3A_693 = arith.constant 1536 : i32
    %dma_start3A_694 = arith.constant 0 : i32
    %dma_start3A_695 = tpu.memref_slice %arg2[%dma_start3A_692, %dma_start3A_693, %dma_start3A_694] : memref<16x2048x1024xf32, #tpu.memory_space<any>> -> memref<1x512x1024xf32, #tpu.memory_space<any>>
    %dma_start3A_696 = tpu.memref_squeeze %dma_start3A_695 : memref<1x512x1024xf32, #tpu.memory_space<any>> -> memref<512x1024xf32, #tpu.memory_space<any>>
    %dma_start3A_697 = arith.constant 1536 : i32
    %dma_start3A_698 = arith.constant 0 : i32
    %dma_start3A_699 = tpu.memref_slice %arg3[%dma_start3A_697, %dma_start3A_698] : memref<2048x1024xf32, #tpu.memory_space<vmem>> -> memref<512x1024xf32, #tpu.memory_space<vmem>>
    tpu.enqueue_dma source(%dma_start3A_699 : memref<512x1024xf32, #tpu.memory_space<vmem>>) target(%dma_start3A_696 : memref<512x1024xf32, #tpu.memory_space<any>>) target_semaphore(%arg6 : memref<!tpu.dma_semaphore, #tpu.memory_space<semaphore_mem>>)
    %dma_start3A_700 = arith.constant 11 : i32
    %dma_start3A_701 = arith.constant 1536 : i32
    %dma_start3A_702 = arith.constant 0 : i32
    %dma_start3A_703 = tpu.memref_slice %arg2[%dma_start3A_700, %dma_start3A_701, %dma_start3A_702] : memref<16x2048x1024xf32, #tpu.memory_space<any>> -> memref<1x512x1024xf32, #tpu.memory_space<any>>
    %dma_start3A_704 = tpu.memref_squeeze %dma_start3A_703 : memref<1x512x1024xf32, #tpu.memory_space<any>> -> memref<512x1024xf32, #tpu.memory_space<any>>
    %dma_start3A_705 = arith.constant 1536 : i32
    %dma_start3A_706 = arith.constant 0 : i32
    %dma_start3A_707 = tpu.memref_slice %arg3[%dma_start3A_705, %dma_start3A_706] : memref<2048x1024xf32, #tpu.memory_space<vmem>> -> memref<512x1024xf32, #tpu.memory_space<vmem>>
    tpu.enqueue_dma source(%dma_start3A_707 : memref<512x1024xf32, #tpu.memory_space<vmem>>) target(%dma_start3A_704 : memref<512x1024xf32, #tpu.memory_space<any>>) target_semaphore(%arg7 : memref<!tpu.dma_semaphore, #tpu.memory_space<semaphore_mem>>)
    %dma_start3A_708 = arith.constant 12 : i32
    %dma_start3A_709 = arith.constant 1536 : i32
    %dma_start3A_710 = arith.constant 0 : i32
    %dma_start3A_711 = tpu.memref_slice %arg2[%dma_start3A_708, %dma_start3A_709, %dma_start3A_710] : memref<16x2048x1024xf32, #tpu.memory_space<any>> -> memref<1x512x1024xf32, #tpu.memory_space<any>>
    %dma_start3A_712 = tpu.memref_squeeze %dma_start3A_711 : memref<1x512x1024xf32, #tpu.memory_space<any>> -> memref<512x1024xf32, #tpu.memory_space<any>>
    %dma_start3A_713 = arith.constant 1536 : i32
    %dma_start3A_714 = arith.constant 0 : i32
    %dma_start3A_715 = tpu.memref_slice %arg3[%dma_start3A_713, %dma_start3A_714] : memref<2048x1024xf32, #tpu.memory_space<vmem>> -> memref<512x1024xf32, #tpu.memory_space<vmem>>
    tpu.enqueue_dma source(%dma_start3A_715 : memref<512x1024xf32, #tpu.memory_space<vmem>>) target(%dma_start3A_712 : memref<512x1024xf32, #tpu.memory_space<any>>) target_semaphore(%arg4 : memref<!tpu.dma_semaphore, #tpu.memory_space<semaphore_mem>>)
    %dma_start3A_716 = arith.constant 13 : i32
    %dma_start3A_717 = arith.constant 1536 : i32
    %dma_start3A_718 = arith.constant 0 : i32
    %dma_start3A_719 = tpu.memref_slice %arg2[%dma_start3A_716, %dma_start3A_717, %dma_start3A_718] : memref<16x2048x1024xf32, #tpu.memory_space<any>> -> memref<1x512x1024xf32, #tpu.memory_space<any>>
    %dma_start3A_720 = tpu.memref_squeeze %dma_start3A_719 : memref<1x512x1024xf32, #tpu.memory_space<any>> -> memref<512x1024xf32, #tpu.memory_space<any>>
    %dma_start3A_721 = arith.constant 1536 : i32
    %dma_start3A_722 = arith.constant 0 : i32
    %dma_start3A_723 = tpu.memref_slice %arg3[%dma_start3A_721, %dma_start3A_722] : memref<2048x1024xf32, #tpu.memory_space<vmem>> -> memref<512x1024xf32, #tpu.memory_space<vmem>>
    tpu.enqueue_dma source(%dma_start3A_723 : memref<512x1024xf32, #tpu.memory_space<vmem>>) target(%dma_start3A_720 : memref<512x1024xf32, #tpu.memory_space<any>>) target_semaphore(%arg5 : memref<!tpu.dma_semaphore, #tpu.memory_space<semaphore_mem>>)
    %dma_start3A_724 = arith.constant 14 : i32
    %dma_start3A_725 = arith.constant 1536 : i32
    %dma_start3A_726 = arith.constant 0 : i32
    %dma_start3A_727 = tpu.memref_slice %arg2[%dma_start3A_724, %dma_start3A_725, %dma_start3A_726] : memref<16x2048x1024xf32, #tpu.memory_space<any>> -> memref<1x512x1024xf32, #tpu.memory_space<any>>
    %dma_start3A_728 = tpu.memref_squeeze %dma_start3A_727 : memref<1x512x1024xf32, #tpu.memory_space<any>> -> memref<512x1024xf32, #tpu.memory_space<any>>
    %dma_start3A_729 = arith.constant 1536 : i32
    %dma_start3A_730 = arith.constant 0 : i32
    %dma_start3A_731 = tpu.memref_slice %arg3[%dma_start3A_729, %dma_start3A_730] : memref<2048x1024xf32, #tpu.memory_space<vmem>> -> memref<512x1024xf32, #tpu.memory_space<vmem>>
    tpu.enqueue_dma source(%dma_start3A_731 : memref<512x1024xf32, #tpu.memory_space<vmem>>) target(%dma_start3A_728 : memref<512x1024xf32, #tpu.memory_space<any>>) target_semaphore(%arg6 : memref<!tpu.dma_semaphore, #tpu.memory_space<semaphore_mem>>)
    %dma_start3A_732 = arith.constant 15 : i32
    %dma_start3A_733 = arith.constant 1536 : i32
    %dma_start3A_734 = arith.constant 0 : i32
    %dma_start3A_735 = tpu.memref_slice %arg2[%dma_start3A_732, %dma_start3A_733, %dma_start3A_734] : memref<16x2048x1024xf32, #tpu.memory_space<any>> -> memref<1x512x1024xf32, #tpu.memory_space<any>>
    %dma_start3A_736 = tpu.memref_squeeze %dma_start3A_735 : memref<1x512x1024xf32, #tpu.memory_space<any>> -> memref<512x1024xf32, #tpu.memory_space<any>>
    %dma_start3A_737 = arith.constant 1536 : i32
    %dma_start3A_738 = arith.constant 0 : i32
    %dma_start3A_739 = tpu.memref_slice %arg3[%dma_start3A_737, %dma_start3A_738] : memref<2048x1024xf32, #tpu.memory_space<vmem>> -> memref<512x1024xf32, #tpu.memory_space<vmem>>
    tpu.enqueue_dma source(%dma_start3A_739 : memref<512x1024xf32, #tpu.memory_space<vmem>>) target(%dma_start3A_736 : memref<512x1024xf32, #tpu.memory_space<any>>) target_semaphore(%arg7 : memref<!tpu.dma_semaphore, #tpu.memory_space<semaphore_mem>>)
    %dma_wait3A_740 = arith.constant 0 : i32
    %dma_wait3A_741 = arith.constant 512 : i32
    %dma_wait3A_742 = arith.constant 0 : i32
    %dma_wait3A_743 = tpu.memref_slice %arg2[%dma_wait3A_740, %dma_wait3A_741, %dma_wait3A_742] : memref<16x2048x1024xf32, #tpu.memory_space<any>> -> memref<1x512x1024xf32, #tpu.memory_space<any>>
    %dma_wait3A_744 = tpu.memref_squeeze %dma_wait3A_743 : memref<1x512x1024xf32, #tpu.memory_space<any>> -> memref<512x1024xf32, #tpu.memory_space<any>>
    %dma_wait3A_745 = arith.constant 512 : i32
    %dma_wait3A_746 = arith.constant 0 : i32
    %dma_wait3A_747 = tpu.memref_slice %arg3[%dma_wait3A_745, %dma_wait3A_746] : memref<2048x1024xf32, #tpu.memory_space<vmem>> -> memref<512x1024xf32, #tpu.memory_space<vmem>>
    tpu.wait_dma2 semaphore(%arg4 : memref<!tpu.dma_semaphore, #tpu.memory_space<semaphore_mem>>) src(%dma_wait3A_747 : memref<512x1024xf32, #tpu.memory_space<vmem>>) dst(%dma_wait3A_744 : memref<512x1024xf32, #tpu.memory_space<any>>)
    %dma_wait3A_748 = arith.constant 1 : i32
    %dma_wait3A_749 = arith.constant 512 : i32
    %dma_wait3A_750 = arith.constant 0 : i32
    %dma_wait3A_751 = tpu.memref_slice %arg2[%dma_wait3A_748, %dma_wait3A_749, %dma_wait3A_750] : memref<16x2048x1024xf32, #tpu.memory_space<any>> -> memref<1x512x1024xf32, #tpu.memory_space<any>>
    %dma_wait3A_752 = tpu.memref_squeeze %dma_wait3A_751 : memref<1x512x1024xf32, #tpu.memory_space<any>> -> memref<512x1024xf32, #tpu.memory_space<any>>
    %dma_wait3A_753 = arith.constant 512 : i32
    %dma_wait3A_754 = arith.constant 0 : i32
    %dma_wait3A_755 = tpu.memref_slice %arg3[%dma_wait3A_753, %dma_wait3A_754] : memref<2048x1024xf32, #tpu.memory_space<vmem>> -> memref<512x1024xf32, #tpu.memory_space<vmem>>
    tpu.wait_dma2 semaphore(%arg5 : memref<!tpu.dma_semaphore, #tpu.memory_space<semaphore_mem>>) src(%dma_wait3A_755 : memref<512x1024xf32, #tpu.memory_space<vmem>>) dst(%dma_wait3A_752 : memref<512x1024xf32, #tpu.memory_space<any>>)
    %dma_wait3A_756 = arith.constant 2 : i32
    %dma_wait3A_757 = arith.constant 512 : i32
    %dma_wait3A_758 = arith.constant 0 : i32
    %dma_wait3A_759 = tpu.memref_slice %arg2[%dma_wait3A_756, %dma_wait3A_757, %dma_wait3A_758] : memref<16x2048x1024xf32, #tpu.memory_space<any>> -> memref<1x512x1024xf32, #tpu.memory_space<any>>
    %dma_wait3A_760 = tpu.memref_squeeze %dma_wait3A_759 : memref<1x512x1024xf32, #tpu.memory_space<any>> -> memref<512x1024xf32, #tpu.memory_space<any>>
    %dma_wait3A_761 = arith.constant 512 : i32
    %dma_wait3A_762 = arith.constant 0 : i32
    %dma_wait3A_763 = tpu.memref_slice %arg3[%dma_wait3A_761, %dma_wait3A_762] : memref<2048x1024xf32, #tpu.memory_space<vmem>> -> memref<512x1024xf32, #tpu.memory_space<vmem>>
    tpu.wait_dma2 semaphore(%arg6 : memref<!tpu.dma_semaphore, #tpu.memory_space<semaphore_mem>>) src(%dma_wait3A_763 : memref<512x1024xf32, #tpu.memory_space<vmem>>) dst(%dma_wait3A_760 : memref<512x1024xf32, #tpu.memory_space<any>>)
    %dma_wait3A_764 = arith.constant 3 : i32
    %dma_wait3A_765 = arith.constant 512 : i32
    %dma_wait3A_766 = arith.constant 0 : i32
    %dma_wait3A_767 = tpu.memref_slice %arg2[%dma_wait3A_764, %dma_wait3A_765, %dma_wait3A_766] : memref<16x2048x1024xf32, #tpu.memory_space<any>> -> memref<1x512x1024xf32, #tpu.memory_space<any>>
    %dma_wait3A_768 = tpu.memref_squeeze %dma_wait3A_767 : memref<1x512x1024xf32, #tpu.memory_space<any>> -> memref<512x1024xf32, #tpu.memory_space<any>>
    %dma_wait3A_769 = arith.constant 512 : i32
    %dma_wait3A_770 = arith.constant 0 : i32
    %dma_wait3A_771 = tpu.memref_slice %arg3[%dma_wait3A_769, %dma_wait3A_770] : memref<2048x1024xf32, #tpu.memory_space<vmem>> -> memref<512x1024xf32, #tpu.memory_space<vmem>>
    tpu.wait_dma2 semaphore(%arg7 : memref<!tpu.dma_semaphore, #tpu.memory_space<semaphore_mem>>) src(%dma_wait3A_771 : memref<512x1024xf32, #tpu.memory_space<vmem>>) dst(%dma_wait3A_768 : memref<512x1024xf32, #tpu.memory_space<any>>)
    %dma_wait3A_772 = arith.constant 4 : i32
    %dma_wait3A_773 = arith.constant 512 : i32
    %dma_wait3A_774 = arith.constant 0 : i32
    %dma_wait3A_775 = tpu.memref_slice %arg2[%dma_wait3A_772, %dma_wait3A_773, %dma_wait3A_774] : memref<16x2048x1024xf32, #tpu.memory_space<any>> -> memref<1x512x1024xf32, #tpu.memory_space<any>>
    %dma_wait3A_776 = tpu.memref_squeeze %dma_wait3A_775 : memref<1x512x1024xf32, #tpu.memory_space<any>> -> memref<512x1024xf32, #tpu.memory_space<any>>
    %dma_wait3A_777 = arith.constant 512 : i32
    %dma_wait3A_778 = arith.constant 0 : i32
    %dma_wait3A_779 = tpu.memref_slice %arg3[%dma_wait3A_777, %dma_wait3A_778] : memref<2048x1024xf32, #tpu.memory_space<vmem>> -> memref<512x1024xf32, #tpu.memory_space<vmem>>
    tpu.wait_dma2 semaphore(%arg4 : memref<!tpu.dma_semaphore, #tpu.memory_space<semaphore_mem>>) src(%dma_wait3A_779 : memref<512x1024xf32, #tpu.memory_space<vmem>>) dst(%dma_wait3A_776 : memref<512x1024xf32, #tpu.memory_space<any>>)
    %dma_wait3A_780 = arith.constant 5 : i32
    %dma_wait3A_781 = arith.constant 512 : i32
    %dma_wait3A_782 = arith.constant 0 : i32
    %dma_wait3A_783 = tpu.memref_slice %arg2[%dma_wait3A_780, %dma_wait3A_781, %dma_wait3A_782] : memref<16x2048x1024xf32, #tpu.memory_space<any>> -> memref<1x512x1024xf32, #tpu.memory_space<any>>
    %dma_wait3A_784 = tpu.memref_squeeze %dma_wait3A_783 : memref<1x512x1024xf32, #tpu.memory_space<any>> -> memref<512x1024xf32, #tpu.memory_space<any>>
    %dma_wait3A_785 = arith.constant 512 : i32
    %dma_wait3A_786 = arith.constant 0 : i32
    %dma_wait3A_787 = tpu.memref_slice %arg3[%dma_wait3A_785, %dma_wait3A_786] : memref<2048x1024xf32, #tpu.memory_space<vmem>> -> memref<512x1024xf32, #tpu.memory_space<vmem>>
    tpu.wait_dma2 semaphore(%arg5 : memref<!tpu.dma_semaphore, #tpu.memory_space<semaphore_mem>>) src(%dma_wait3A_787 : memref<512x1024xf32, #tpu.memory_space<vmem>>) dst(%dma_wait3A_784 : memref<512x1024xf32, #tpu.memory_space<any>>)
    %dma_wait3A_788 = arith.constant 6 : i32
    %dma_wait3A_789 = arith.constant 512 : i32
    %dma_wait3A_790 = arith.constant 0 : i32
    %dma_wait3A_791 = tpu.memref_slice %arg2[%dma_wait3A_788, %dma_wait3A_789, %dma_wait3A_790] : memref<16x2048x1024xf32, #tpu.memory_space<any>> -> memref<1x512x1024xf32, #tpu.memory_space<any>>
    %dma_wait3A_792 = tpu.memref_squeeze %dma_wait3A_791 : memref<1x512x1024xf32, #tpu.memory_space<any>> -> memref<512x1024xf32, #tpu.memory_space<any>>
    %dma_wait3A_793 = arith.constant 512 : i32
    %dma_wait3A_794 = arith.constant 0 : i32
    %dma_wait3A_795 = tpu.memref_slice %arg3[%dma_wait3A_793, %dma_wait3A_794] : memref<2048x1024xf32, #tpu.memory_space<vmem>> -> memref<512x1024xf32, #tpu.memory_space<vmem>>
    tpu.wait_dma2 semaphore(%arg6 : memref<!tpu.dma_semaphore, #tpu.memory_space<semaphore_mem>>) src(%dma_wait3A_795 : memref<512x1024xf32, #tpu.memory_space<vmem>>) dst(%dma_wait3A_792 : memref<512x1024xf32, #tpu.memory_space<any>>)
    %dma_wait3A_796 = arith.constant 7 : i32
    %dma_wait3A_797 = arith.constant 512 : i32
    %dma_wait3A_798 = arith.constant 0 : i32
    %dma_wait3A_799 = tpu.memref_slice %arg2[%dma_wait3A_796, %dma_wait3A_797, %dma_wait3A_798] : memref<16x2048x1024xf32, #tpu.memory_space<any>> -> memref<1x512x1024xf32, #tpu.memory_space<any>>
    %dma_wait3A_800 = tpu.memref_squeeze %dma_wait3A_799 : memref<1x512x1024xf32, #tpu.memory_space<any>> -> memref<512x1024xf32, #tpu.memory_space<any>>
    %dma_wait3A_801 = arith.constant 512 : i32
    %dma_wait3A_802 = arith.constant 0 : i32
    %dma_wait3A_803 = tpu.memref_slice %arg3[%dma_wait3A_801, %dma_wait3A_802] : memref<2048x1024xf32, #tpu.memory_space<vmem>> -> memref<512x1024xf32, #tpu.memory_space<vmem>>
    tpu.wait_dma2 semaphore(%arg7 : memref<!tpu.dma_semaphore, #tpu.memory_space<semaphore_mem>>) src(%dma_wait3A_803 : memref<512x1024xf32, #tpu.memory_space<vmem>>) dst(%dma_wait3A_800 : memref<512x1024xf32, #tpu.memory_space<any>>)
    %dma_wait3A_804 = arith.constant 8 : i32
    %dma_wait3A_805 = arith.constant 512 : i32
    %dma_wait3A_806 = arith.constant 0 : i32
    %dma_wait3A_807 = tpu.memref_slice %arg2[%dma_wait3A_804, %dma_wait3A_805, %dma_wait3A_806] : memref<16x2048x1024xf32, #tpu.memory_space<any>> -> memref<1x512x1024xf32, #tpu.memory_space<any>>
    %dma_wait3A_808 = tpu.memref_squeeze %dma_wait3A_807 : memref<1x512x1024xf32, #tpu.memory_space<any>> -> memref<512x1024xf32, #tpu.memory_space<any>>
    %dma_wait3A_809 = arith.constant 512 : i32
    %dma_wait3A_810 = arith.constant 0 : i32
    %dma_wait3A_811 = tpu.memref_slice %arg3[%dma_wait3A_809, %dma_wait3A_810] : memref<2048x1024xf32, #tpu.memory_space<vmem>> -> memref<512x1024xf32, #tpu.memory_space<vmem>>
    tpu.wait_dma2 semaphore(%arg4 : memref<!tpu.dma_semaphore, #tpu.memory_space<semaphore_mem>>) src(%dma_wait3A_811 : memref<512x1024xf32, #tpu.memory_space<vmem>>) dst(%dma_wait3A_808 : memref<512x1024xf32, #tpu.memory_space<any>>)
    %dma_wait3A_812 = arith.constant 9 : i32
    %dma_wait3A_813 = arith.constant 512 : i32
    %dma_wait3A_814 = arith.constant 0 : i32
    %dma_wait3A_815 = tpu.memref_slice %arg2[%dma_wait3A_812, %dma_wait3A_813, %dma_wait3A_814] : memref<16x2048x1024xf32, #tpu.memory_space<any>> -> memref<1x512x1024xf32, #tpu.memory_space<any>>
    %dma_wait3A_816 = tpu.memref_squeeze %dma_wait3A_815 : memref<1x512x1024xf32, #tpu.memory_space<any>> -> memref<512x1024xf32, #tpu.memory_space<any>>
    %dma_wait3A_817 = arith.constant 512 : i32
    %dma_wait3A_818 = arith.constant 0 : i32
    %dma_wait3A_819 = tpu.memref_slice %arg3[%dma_wait3A_817, %dma_wait3A_818] : memref<2048x1024xf32, #tpu.memory_space<vmem>> -> memref<512x1024xf32, #tpu.memory_space<vmem>>
    tpu.wait_dma2 semaphore(%arg5 : memref<!tpu.dma_semaphore, #tpu.memory_space<semaphore_mem>>) src(%dma_wait3A_819 : memref<512x1024xf32, #tpu.memory_space<vmem>>) dst(%dma_wait3A_816 : memref<512x1024xf32, #tpu.memory_space<any>>)
    %dma_wait3A_820 = arith.constant 10 : i32
    %dma_wait3A_821 = arith.constant 512 : i32
    %dma_wait3A_822 = arith.constant 0 : i32
    %dma_wait3A_823 = tpu.memref_slice %arg2[%dma_wait3A_820, %dma_wait3A_821, %dma_wait3A_822] : memref<16x2048x1024xf32, #tpu.memory_space<any>> -> memref<1x512x1024xf32, #tpu.memory_space<any>>
    %dma_wait3A_824 = tpu.memref_squeeze %dma_wait3A_823 : memref<1x512x1024xf32, #tpu.memory_space<any>> -> memref<512x1024xf32, #tpu.memory_space<any>>
    %dma_wait3A_825 = arith.constant 512 : i32
    %dma_wait3A_826 = arith.constant 0 : i32
    %dma_wait3A_827 = tpu.memref_slice %arg3[%dma_wait3A_825, %dma_wait3A_826] : memref<2048x1024xf32, #tpu.memory_space<vmem>> -> memref<512x1024xf32, #tpu.memory_space<vmem>>
    tpu.wait_dma2 semaphore(%arg6 : memref<!tpu.dma_semaphore, #tpu.memory_space<semaphore_mem>>) src(%dma_wait3A_827 : memref<512x1024xf32, #tpu.memory_space<vmem>>) dst(%dma_wait3A_824 : memref<512x1024xf32, #tpu.memory_space<any>>)
    %dma_wait3A_828 = arith.constant 11 : i32
    %dma_wait3A_829 = arith.constant 512 : i32
    %dma_wait3A_830 = arith.constant 0 : i32
    %dma_wait3A_831 = tpu.memref_slice %arg2[%dma_wait3A_828, %dma_wait3A_829, %dma_wait3A_830] : memref<16x2048x1024xf32, #tpu.memory_space<any>> -> memref<1x512x1024xf32, #tpu.memory_space<any>>
    %dma_wait3A_832 = tpu.memref_squeeze %dma_wait3A_831 : memref<1x512x1024xf32, #tpu.memory_space<any>> -> memref<512x1024xf32, #tpu.memory_space<any>>
    %dma_wait3A_833 = arith.constant 512 : i32
    %dma_wait3A_834 = arith.constant 0 : i32
    %dma_wait3A_835 = tpu.memref_slice %arg3[%dma_wait3A_833, %dma_wait3A_834] : memref<2048x1024xf32, #tpu.memory_space<vmem>> -> memref<512x1024xf32, #tpu.memory_space<vmem>>
    tpu.wait_dma2 semaphore(%arg7 : memref<!tpu.dma_semaphore, #tpu.memory_space<semaphore_mem>>) src(%dma_wait3A_835 : memref<512x1024xf32, #tpu.memory_space<vmem>>) dst(%dma_wait3A_832 : memref<512x1024xf32, #tpu.memory_space<any>>)
    %dma_wait3A_836 = arith.constant 12 : i32
    %dma_wait3A_837 = arith.constant 512 : i32
    %dma_wait3A_838 = arith.constant 0 : i32
    %dma_wait3A_839 = tpu.memref_slice %arg2[%dma_wait3A_836, %dma_wait3A_837, %dma_wait3A_838] : memref<16x2048x1024xf32, #tpu.memory_space<any>> -> memref<1x512x1024xf32, #tpu.memory_space<any>>
    %dma_wait3A_840 = tpu.memref_squeeze %dma_wait3A_839 : memref<1x512x1024xf32, #tpu.memory_space<any>> -> memref<512x1024xf32, #tpu.memory_space<any>>
    %dma_wait3A_841 = arith.constant 512 : i32
    %dma_wait3A_842 = arith.constant 0 : i32
    %dma_wait3A_843 = tpu.memref_slice %arg3[%dma_wait3A_841, %dma_wait3A_842] : memref<2048x1024xf32, #tpu.memory_space<vmem>> -> memref<512x1024xf32, #tpu.memory_space<vmem>>
    tpu.wait_dma2 semaphore(%arg4 : memref<!tpu.dma_semaphore, #tpu.memory_space<semaphore_mem>>) src(%dma_wait3A_843 : memref<512x1024xf32, #tpu.memory_space<vmem>>) dst(%dma_wait3A_840 : memref<512x1024xf32, #tpu.memory_space<any>>)
    %dma_wait3A_844 = arith.constant 13 : i32
    %dma_wait3A_845 = arith.constant 512 : i32
    %dma_wait3A_846 = arith.constant 0 : i32
    %dma_wait3A_847 = tpu.memref_slice %arg2[%dma_wait3A_844, %dma_wait3A_845, %dma_wait3A_846] : memref<16x2048x1024xf32, #tpu.memory_space<any>> -> memref<1x512x1024xf32, #tpu.memory_space<any>>
    %dma_wait3A_848 = tpu.memref_squeeze %dma_wait3A_847 : memref<1x512x1024xf32, #tpu.memory_space<any>> -> memref<512x1024xf32, #tpu.memory_space<any>>
    %dma_wait3A_849 = arith.constant 512 : i32
    %dma_wait3A_850 = arith.constant 0 : i32
    %dma_wait3A_851 = tpu.memref_slice %arg3[%dma_wait3A_849, %dma_wait3A_850] : memref<2048x1024xf32, #tpu.memory_space<vmem>> -> memref<512x1024xf32, #tpu.memory_space<vmem>>
    tpu.wait_dma2 semaphore(%arg5 : memref<!tpu.dma_semaphore, #tpu.memory_space<semaphore_mem>>) src(%dma_wait3A_851 : memref<512x1024xf32, #tpu.memory_space<vmem>>) dst(%dma_wait3A_848 : memref<512x1024xf32, #tpu.memory_space<any>>)
    %dma_wait3A_852 = arith.constant 14 : i32
    %dma_wait3A_853 = arith.constant 512 : i32
    %dma_wait3A_854 = arith.constant 0 : i32
    %dma_wait3A_855 = tpu.memref_slice %arg2[%dma_wait3A_852, %dma_wait3A_853, %dma_wait3A_854] : memref<16x2048x1024xf32, #tpu.memory_space<any>> -> memref<1x512x1024xf32, #tpu.memory_space<any>>
    %dma_wait3A_856 = tpu.memref_squeeze %dma_wait3A_855 : memref<1x512x1024xf32, #tpu.memory_space<any>> -> memref<512x1024xf32, #tpu.memory_space<any>>
    %dma_wait3A_857 = arith.constant 512 : i32
    %dma_wait3A_858 = arith.constant 0 : i32
    %dma_wait3A_859 = tpu.memref_slice %arg3[%dma_wait3A_857, %dma_wait3A_858] : memref<2048x1024xf32, #tpu.memory_space<vmem>> -> memref<512x1024xf32, #tpu.memory_space<vmem>>
    tpu.wait_dma2 semaphore(%arg6 : memref<!tpu.dma_semaphore, #tpu.memory_space<semaphore_mem>>) src(%dma_wait3A_859 : memref<512x1024xf32, #tpu.memory_space<vmem>>) dst(%dma_wait3A_856 : memref<512x1024xf32, #tpu.memory_space<any>>)
    %dma_wait3A_860 = arith.constant 15 : i32
    %dma_wait3A_861 = arith.constant 512 : i32
    %dma_wait3A_862 = arith.constant 0 : i32
    %dma_wait3A_863 = tpu.memref_slice %arg2[%dma_wait3A_860, %dma_wait3A_861, %dma_wait3A_862] : memref<16x2048x1024xf32, #tpu.memory_space<any>> -> memref<1x512x1024xf32, #tpu.memory_space<any>>
    %dma_wait3A_864 = tpu.memref_squeeze %dma_wait3A_863 : memref<1x512x1024xf32, #tpu.memory_space<any>> -> memref<512x1024xf32, #tpu.memory_space<any>>
    %dma_wait3A_865 = arith.constant 512 : i32
    %dma_wait3A_866 = arith.constant 0 : i32
    %dma_wait3A_867 = tpu.memref_slice %arg3[%dma_wait3A_865, %dma_wait3A_866] : memref<2048x1024xf32, #tpu.memory_space<vmem>> -> memref<512x1024xf32, #tpu.memory_space<vmem>>
    tpu.wait_dma2 semaphore(%arg7 : memref<!tpu.dma_semaphore, #tpu.memory_space<semaphore_mem>>) src(%dma_wait3A_867 : memref<512x1024xf32, #tpu.memory_space<vmem>>) dst(%dma_wait3A_864 : memref<512x1024xf32, #tpu.memory_space<any>>)
    %dma_wait3A_868 = arith.constant 0 : i32
    %dma_wait3A_869 = arith.constant 1024 : i32
    %dma_wait3A_870 = arith.constant 0 : i32
    %dma_wait3A_871 = tpu.memref_slice %arg2[%dma_wait3A_868, %dma_wait3A_869, %dma_wait3A_870] : memref<16x2048x1024xf32, #tpu.memory_space<any>> -> memref<1x512x1024xf32, #tpu.memory_space<any>>
    %dma_wait3A_872 = tpu.memref_squeeze %dma_wait3A_871 : memref<1x512x1024xf32, #tpu.memory_space<any>> -> memref<512x1024xf32, #tpu.memory_space<any>>
    %dma_wait3A_873 = arith.constant 1024 : i32
    %dma_wait3A_874 = arith.constant 0 : i32
    %dma_wait3A_875 = tpu.memref_slice %arg3[%dma_wait3A_873, %dma_wait3A_874] : memref<2048x1024xf32, #tpu.memory_space<vmem>> -> memref<512x1024xf32, #tpu.memory_space<vmem>>
    tpu.wait_dma2 semaphore(%arg4 : memref<!tpu.dma_semaphore, #tpu.memory_space<semaphore_mem>>) src(%dma_wait3A_875 : memref<512x1024xf32, #tpu.memory_space<vmem>>) dst(%dma_wait3A_872 : memref<512x1024xf32, #tpu.memory_space<any>>)
    %dma_wait3A_876 = arith.constant 1 : i32
    %dma_wait3A_877 = arith.constant 1024 : i32
    %dma_wait3A_878 = arith.constant 0 : i32
    %dma_wait3A_879 = tpu.memref_slice %arg2[%dma_wait3A_876, %dma_wait3A_877, %dma_wait3A_878] : memref<16x2048x1024xf32, #tpu.memory_space<any>> -> memref<1x512x1024xf32, #tpu.memory_space<any>>
    %dma_wait3A_880 = tpu.memref_squeeze %dma_wait3A_879 : memref<1x512x1024xf32, #tpu.memory_space<any>> -> memref<512x1024xf32, #tpu.memory_space<any>>
    %dma_wait3A_881 = arith.constant 1024 : i32
    %dma_wait3A_882 = arith.constant 0 : i32
    %dma_wait3A_883 = tpu.memref_slice %arg3[%dma_wait3A_881, %dma_wait3A_882] : memref<2048x1024xf32, #tpu.memory_space<vmem>> -> memref<512x1024xf32, #tpu.memory_space<vmem>>
    tpu.wait_dma2 semaphore(%arg5 : memref<!tpu.dma_semaphore, #tpu.memory_space<semaphore_mem>>) src(%dma_wait3A_883 : memref<512x1024xf32, #tpu.memory_space<vmem>>) dst(%dma_wait3A_880 : memref<512x1024xf32, #tpu.memory_space<any>>)
    %dma_wait3A_884 = arith.constant 2 : i32
    %dma_wait3A_885 = arith.constant 1024 : i32
    %dma_wait3A_886 = arith.constant 0 : i32
    %dma_wait3A_887 = tpu.memref_slice %arg2[%dma_wait3A_884, %dma_wait3A_885, %dma_wait3A_886] : memref<16x2048x1024xf32, #tpu.memory_space<any>> -> memref<1x512x1024xf32, #tpu.memory_space<any>>
    %dma_wait3A_888 = tpu.memref_squeeze %dma_wait3A_887 : memref<1x512x1024xf32, #tpu.memory_space<any>> -> memref<512x1024xf32, #tpu.memory_space<any>>
    %dma_wait3A_889 = arith.constant 1024 : i32
    %dma_wait3A_890 = arith.constant 0 : i32
    %dma_wait3A_891 = tpu.memref_slice %arg3[%dma_wait3A_889, %dma_wait3A_890] : memref<2048x1024xf32, #tpu.memory_space<vmem>> -> memref<512x1024xf32, #tpu.memory_space<vmem>>
    tpu.wait_dma2 semaphore(%arg6 : memref<!tpu.dma_semaphore, #tpu.memory_space<semaphore_mem>>) src(%dma_wait3A_891 : memref<512x1024xf32, #tpu.memory_space<vmem>>) dst(%dma_wait3A_888 : memref<512x1024xf32, #tpu.memory_space<any>>)
    %dma_wait3A_892 = arith.constant 3 : i32
    %dma_wait3A_893 = arith.constant 1024 : i32
    %dma_wait3A_894 = arith.constant 0 : i32
    %dma_wait3A_895 = tpu.memref_slice %arg2[%dma_wait3A_892, %dma_wait3A_893, %dma_wait3A_894] : memref<16x2048x1024xf32, #tpu.memory_space<any>> -> memref<1x512x1024xf32, #tpu.memory_space<any>>
    %dma_wait3A_896 = tpu.memref_squeeze %dma_wait3A_895 : memref<1x512x1024xf32, #tpu.memory_space<any>> -> memref<512x1024xf32, #tpu.memory_space<any>>
    %dma_wait3A_897 = arith.constant 1024 : i32
    %dma_wait3A_898 = arith.constant 0 : i32
    %dma_wait3A_899 = tpu.memref_slice %arg3[%dma_wait3A_897, %dma_wait3A_898] : memref<2048x1024xf32, #tpu.memory_space<vmem>> -> memref<512x1024xf32, #tpu.memory_space<vmem>>
    tpu.wait_dma2 semaphore(%arg7 : memref<!tpu.dma_semaphore, #tpu.memory_space<semaphore_mem>>) src(%dma_wait3A_899 : memref<512x1024xf32, #tpu.memory_space<vmem>>) dst(%dma_wait3A_896 : memref<512x1024xf32, #tpu.memory_space<any>>)
    %dma_wait3A_900 = arith.constant 4 : i32
    %dma_wait3A_901 = arith.constant 1024 : i32
    %dma_wait3A_902 = arith.constant 0 : i32
    %dma_wait3A_903 = tpu.memref_slice %arg2[%dma_wait3A_900, %dma_wait3A_901, %dma_wait3A_902] : memref<16x2048x1024xf32, #tpu.memory_space<any>> -> memref<1x512x1024xf32, #tpu.memory_space<any>>
    %dma_wait3A_904 = tpu.memref_squeeze %dma_wait3A_903 : memref<1x512x1024xf32, #tpu.memory_space<any>> -> memref<512x1024xf32, #tpu.memory_space<any>>
    %dma_wait3A_905 = arith.constant 1024 : i32
    %dma_wait3A_906 = arith.constant 0 : i32
    %dma_wait3A_907 = tpu.memref_slice %arg3[%dma_wait3A_905, %dma_wait3A_906] : memref<2048x1024xf32, #tpu.memory_space<vmem>> -> memref<512x1024xf32, #tpu.memory_space<vmem>>
    tpu.wait_dma2 semaphore(%arg4 : memref<!tpu.dma_semaphore, #tpu.memory_space<semaphore_mem>>) src(%dma_wait3A_907 : memref<512x1024xf32, #tpu.memory_space<vmem>>) dst(%dma_wait3A_904 : memref<512x1024xf32, #tpu.memory_space<any>>)
    %dma_wait3A_908 = arith.constant 5 : i32
    %dma_wait3A_909 = arith.constant 1024 : i32
    %dma_wait3A_910 = arith.constant 0 : i32
    %dma_wait3A_911 = tpu.memref_slice %arg2[%dma_wait3A_908, %dma_wait3A_909, %dma_wait3A_910] : memref<16x2048x1024xf32, #tpu.memory_space<any>> -> memref<1x512x1024xf32, #tpu.memory_space<any>>
    %dma_wait3A_912 = tpu.memref_squeeze %dma_wait3A_911 : memref<1x512x1024xf32, #tpu.memory_space<any>> -> memref<512x1024xf32, #tpu.memory_space<any>>
    %dma_wait3A_913 = arith.constant 1024 : i32
    %dma_wait3A_914 = arith.constant 0 : i32
    %dma_wait3A_915 = tpu.memref_slice %arg3[%dma_wait3A_913, %dma_wait3A_914] : memref<2048x1024xf32, #tpu.memory_space<vmem>> -> memref<512x1024xf32, #tpu.memory_space<vmem>>
    tpu.wait_dma2 semaphore(%arg5 : memref<!tpu.dma_semaphore, #tpu.memory_space<semaphore_mem>>) src(%dma_wait3A_915 : memref<512x1024xf32, #tpu.memory_space<vmem>>) dst(%dma_wait3A_912 : memref<512x1024xf32, #tpu.memory_space<any>>)
    %dma_wait3A_916 = arith.constant 6 : i32
    %dma_wait3A_917 = arith.constant 1024 : i32
    %dma_wait3A_918 = arith.constant 0 : i32
    %dma_wait3A_919 = tpu.memref_slice %arg2[%dma_wait3A_916, %dma_wait3A_917, %dma_wait3A_918] : memref<16x2048x1024xf32, #tpu.memory_space<any>> -> memref<1x512x1024xf32, #tpu.memory_space<any>>
    %dma_wait3A_920 = tpu.memref_squeeze %dma_wait3A_919 : memref<1x512x1024xf32, #tpu.memory_space<any>> -> memref<512x1024xf32, #tpu.memory_space<any>>
    %dma_wait3A_921 = arith.constant 1024 : i32
    %dma_wait3A_922 = arith.constant 0 : i32
    %dma_wait3A_923 = tpu.memref_slice %arg3[%dma_wait3A_921, %dma_wait3A_922] : memref<2048x1024xf32, #tpu.memory_space<vmem>> -> memref<512x1024xf32, #tpu.memory_space<vmem>>
    tpu.wait_dma2 semaphore(%arg6 : memref<!tpu.dma_semaphore, #tpu.memory_space<semaphore_mem>>) src(%dma_wait3A_923 : memref<512x1024xf32, #tpu.memory_space<vmem>>) dst(%dma_wait3A_920 : memref<512x1024xf32, #tpu.memory_space<any>>)
    %dma_wait3A_924 = arith.constant 7 : i32
    %dma_wait3A_925 = arith.constant 1024 : i32
    %dma_wait3A_926 = arith.constant 0 : i32
    %dma_wait3A_927 = tpu.memref_slice %arg2[%dma_wait3A_924, %dma_wait3A_925, %dma_wait3A_926] : memref<16x2048x1024xf32, #tpu.memory_space<any>> -> memref<1x512x1024xf32, #tpu.memory_space<any>>
    %dma_wait3A_928 = tpu.memref_squeeze %dma_wait3A_927 : memref<1x512x1024xf32, #tpu.memory_space<any>> -> memref<512x1024xf32, #tpu.memory_space<any>>
    %dma_wait3A_929 = arith.constant 1024 : i32
    %dma_wait3A_930 = arith.constant 0 : i32
    %dma_wait3A_931 = tpu.memref_slice %arg3[%dma_wait3A_929, %dma_wait3A_930] : memref<2048x1024xf32, #tpu.memory_space<vmem>> -> memref<512x1024xf32, #tpu.memory_space<vmem>>
    tpu.wait_dma2 semaphore(%arg7 : memref<!tpu.dma_semaphore, #tpu.memory_space<semaphore_mem>>) src(%dma_wait3A_931 : memref<512x1024xf32, #tpu.memory_space<vmem>>) dst(%dma_wait3A_928 : memref<512x1024xf32, #tpu.memory_space<any>>)
    %dma_wait3A_932 = arith.constant 8 : i32
    %dma_wait3A_933 = arith.constant 1024 : i32
    %dma_wait3A_934 = arith.constant 0 : i32
    %dma_wait3A_935 = tpu.memref_slice %arg2[%dma_wait3A_932, %dma_wait3A_933, %dma_wait3A_934] : memref<16x2048x1024xf32, #tpu.memory_space<any>> -> memref<1x512x1024xf32, #tpu.memory_space<any>>
    %dma_wait3A_936 = tpu.memref_squeeze %dma_wait3A_935 : memref<1x512x1024xf32, #tpu.memory_space<any>> -> memref<512x1024xf32, #tpu.memory_space<any>>
    %dma_wait3A_937 = arith.constant 1024 : i32
    %dma_wait3A_938 = arith.constant 0 : i32
    %dma_wait3A_939 = tpu.memref_slice %arg3[%dma_wait3A_937, %dma_wait3A_938] : memref<2048x1024xf32, #tpu.memory_space<vmem>> -> memref<512x1024xf32, #tpu.memory_space<vmem>>
    tpu.wait_dma2 semaphore(%arg4 : memref<!tpu.dma_semaphore, #tpu.memory_space<semaphore_mem>>) src(%dma_wait3A_939 : memref<512x1024xf32, #tpu.memory_space<vmem>>) dst(%dma_wait3A_936 : memref<512x1024xf32, #tpu.memory_space<any>>)
    %dma_wait3A_940 = arith.constant 9 : i32
    %dma_wait3A_941 = arith.constant 1024 : i32
    %dma_wait3A_942 = arith.constant 0 : i32
    %dma_wait3A_943 = tpu.memref_slice %arg2[%dma_wait3A_940, %dma_wait3A_941, %dma_wait3A_942] : memref<16x2048x1024xf32, #tpu.memory_space<any>> -> memref<1x512x1024xf32, #tpu.memory_space<any>>
    %dma_wait3A_944 = tpu.memref_squeeze %dma_wait3A_943 : memref<1x512x1024xf32, #tpu.memory_space<any>> -> memref<512x1024xf32, #tpu.memory_space<any>>
    %dma_wait3A_945 = arith.constant 1024 : i32
    %dma_wait3A_946 = arith.constant 0 : i32
    %dma_wait3A_947 = tpu.memref_slice %arg3[%dma_wait3A_945, %dma_wait3A_946] : memref<2048x1024xf32, #tpu.memory_space<vmem>> -> memref<512x1024xf32, #tpu.memory_space<vmem>>
    tpu.wait_dma2 semaphore(%arg5 : memref<!tpu.dma_semaphore, #tpu.memory_space<semaphore_mem>>) src(%dma_wait3A_947 : memref<512x1024xf32, #tpu.memory_space<vmem>>) dst(%dma_wait3A_944 : memref<512x1024xf32, #tpu.memory_space<any>>)
    %dma_wait3A_948 = arith.constant 10 : i32
    %dma_wait3A_949 = arith.constant 1024 : i32
    %dma_wait3A_950 = arith.constant 0 : i32
    %dma_wait3A_951 = tpu.memref_slice %arg2[%dma_wait3A_948, %dma_wait3A_949, %dma_wait3A_950] : memref<16x2048x1024xf32, #tpu.memory_space<any>> -> memref<1x512x1024xf32, #tpu.memory_space<any>>
    %dma_wait3A_952 = tpu.memref_squeeze %dma_wait3A_951 : memref<1x512x1024xf32, #tpu.memory_space<any>> -> memref<512x1024xf32, #tpu.memory_space<any>>
    %dma_wait3A_953 = arith.constant 1024 : i32
    %dma_wait3A_954 = arith.constant 0 : i32
    %dma_wait3A_955 = tpu.memref_slice %arg3[%dma_wait3A_953, %dma_wait3A_954] : memref<2048x1024xf32, #tpu.memory_space<vmem>> -> memref<512x1024xf32, #tpu.memory_space<vmem>>
    tpu.wait_dma2 semaphore(%arg6 : memref<!tpu.dma_semaphore, #tpu.memory_space<semaphore_mem>>) src(%dma_wait3A_955 : memref<512x1024xf32, #tpu.memory_space<vmem>>) dst(%dma_wait3A_952 : memref<512x1024xf32, #tpu.memory_space<any>>)
    %dma_wait3A_956 = arith.constant 11 : i32
    %dma_wait3A_957 = arith.constant 1024 : i32
    %dma_wait3A_958 = arith.constant 0 : i32
    %dma_wait3A_959 = tpu.memref_slice %arg2[%dma_wait3A_956, %dma_wait3A_957, %dma_wait3A_958] : memref<16x2048x1024xf32, #tpu.memory_space<any>> -> memref<1x512x1024xf32, #tpu.memory_space<any>>
    %dma_wait3A_960 = tpu.memref_squeeze %dma_wait3A_959 : memref<1x512x1024xf32, #tpu.memory_space<any>> -> memref<512x1024xf32, #tpu.memory_space<any>>
    %dma_wait3A_961 = arith.constant 1024 : i32
    %dma_wait3A_962 = arith.constant 0 : i32
    %dma_wait3A_963 = tpu.memref_slice %arg3[%dma_wait3A_961, %dma_wait3A_962] : memref<2048x1024xf32, #tpu.memory_space<vmem>> -> memref<512x1024xf32, #tpu.memory_space<vmem>>
    tpu.wait_dma2 semaphore(%arg7 : memref<!tpu.dma_semaphore, #tpu.memory_space<semaphore_mem>>) src(%dma_wait3A_963 : memref<512x1024xf32, #tpu.memory_space<vmem>>) dst(%dma_wait3A_960 : memref<512x1024xf32, #tpu.memory_space<any>>)
    %dma_wait3A_964 = arith.constant 12 : i32
    %dma_wait3A_965 = arith.constant 1024 : i32
    %dma_wait3A_966 = arith.constant 0 : i32
    %dma_wait3A_967 = tpu.memref_slice %arg2[%dma_wait3A_964, %dma_wait3A_965, %dma_wait3A_966] : memref<16x2048x1024xf32, #tpu.memory_space<any>> -> memref<1x512x1024xf32, #tpu.memory_space<any>>
    %dma_wait3A_968 = tpu.memref_squeeze %dma_wait3A_967 : memref<1x512x1024xf32, #tpu.memory_space<any>> -> memref<512x1024xf32, #tpu.memory_space<any>>
    %dma_wait3A_969 = arith.constant 1024 : i32
    %dma_wait3A_970 = arith.constant 0 : i32
    %dma_wait3A_971 = tpu.memref_slice %arg3[%dma_wait3A_969, %dma_wait3A_970] : memref<2048x1024xf32, #tpu.memory_space<vmem>> -> memref<512x1024xf32, #tpu.memory_space<vmem>>
    tpu.wait_dma2 semaphore(%arg4 : memref<!tpu.dma_semaphore, #tpu.memory_space<semaphore_mem>>) src(%dma_wait3A_971 : memref<512x1024xf32, #tpu.memory_space<vmem>>) dst(%dma_wait3A_968 : memref<512x1024xf32, #tpu.memory_space<any>>)
    %dma_wait3A_972 = arith.constant 13 : i32
    %dma_wait3A_973 = arith.constant 1024 : i32
    %dma_wait3A_974 = arith.constant 0 : i32
    %dma_wait3A_975 = tpu.memref_slice %arg2[%dma_wait3A_972, %dma_wait3A_973, %dma_wait3A_974] : memref<16x2048x1024xf32, #tpu.memory_space<any>> -> memref<1x512x1024xf32, #tpu.memory_space<any>>
    %dma_wait3A_976 = tpu.memref_squeeze %dma_wait3A_975 : memref<1x512x1024xf32, #tpu.memory_space<any>> -> memref<512x1024xf32, #tpu.memory_space<any>>
    %dma_wait3A_977 = arith.constant 1024 : i32
    %dma_wait3A_978 = arith.constant 0 : i32
    %dma_wait3A_979 = tpu.memref_slice %arg3[%dma_wait3A_977, %dma_wait3A_978] : memref<2048x1024xf32, #tpu.memory_space<vmem>> -> memref<512x1024xf32, #tpu.memory_space<vmem>>
    tpu.wait_dma2 semaphore(%arg5 : memref<!tpu.dma_semaphore, #tpu.memory_space<semaphore_mem>>) src(%dma_wait3A_979 : memref<512x1024xf32, #tpu.memory_space<vmem>>) dst(%dma_wait3A_976 : memref<512x1024xf32, #tpu.memory_space<any>>)
    %dma_wait3A_980 = arith.constant 14 : i32
    %dma_wait3A_981 = arith.constant 1024 : i32
    %dma_wait3A_982 = arith.constant 0 : i32
    %dma_wait3A_983 = tpu.memref_slice %arg2[%dma_wait3A_980, %dma_wait3A_981, %dma_wait3A_982] : memref<16x2048x1024xf32, #tpu.memory_space<any>> -> memref<1x512x1024xf32, #tpu.memory_space<any>>
    %dma_wait3A_984 = tpu.memref_squeeze %dma_wait3A_983 : memref<1x512x1024xf32, #tpu.memory_space<any>> -> memref<512x1024xf32, #tpu.memory_space<any>>
    %dma_wait3A_985 = arith.constant 1024 : i32
    %dma_wait3A_986 = arith.constant 0 : i32
    %dma_wait3A_987 = tpu.memref_slice %arg3[%dma_wait3A_985, %dma_wait3A_986] : memref<2048x1024xf32, #tpu.memory_space<vmem>> -> memref<512x1024xf32, #tpu.memory_space<vmem>>
    tpu.wait_dma2 semaphore(%arg6 : memref<!tpu.dma_semaphore, #tpu.memory_space<semaphore_mem>>) src(%dma_wait3A_987 : memref<512x1024xf32, #tpu.memory_space<vmem>>) dst(%dma_wait3A_984 : memref<512x1024xf32, #tpu.memory_space<any>>)
    %dma_wait3A_988 = arith.constant 15 : i32
    %dma_wait3A_989 = arith.constant 1024 : i32
    %dma_wait3A_990 = arith.constant 0 : i32
    %dma_wait3A_991 = tpu.memref_slice %arg2[%dma_wait3A_988, %dma_wait3A_989, %dma_wait3A_990] : memref<16x2048x1024xf32, #tpu.memory_space<any>> -> memref<1x512x1024xf32, #tpu.memory_space<any>>
    %dma_wait3A_992 = tpu.memref_squeeze %dma_wait3A_991 : memref<1x512x1024xf32, #tpu.memory_space<any>> -> memref<512x1024xf32, #tpu.memory_space<any>>
    %dma_wait3A_993 = arith.constant 1024 : i32
    %dma_wait3A_994 = arith.constant 0 : i32
    %dma_wait3A_995 = tpu.memref_slice %arg3[%dma_wait3A_993, %dma_wait3A_994] : memref<2048x1024xf32, #tpu.memory_space<vmem>> -> memref<512x1024xf32, #tpu.memory_space<vmem>>
    tpu.wait_dma2 semaphore(%arg7 : memref<!tpu.dma_semaphore, #tpu.memory_space<semaphore_mem>>) src(%dma_wait3A_995 : memref<512x1024xf32, #tpu.memory_space<vmem>>) dst(%dma_wait3A_992 : memref<512x1024xf32, #tpu.memory_space<any>>)
    %dma_wait3A_996 = arith.constant 0 : i32
    %dma_wait3A_997 = arith.constant 1536 : i32
    %dma_wait3A_998 = arith.constant 0 : i32
    %dma_wait3A_999 = tpu.memref_slice %arg2[%dma_wait3A_996, %dma_wait3A_997, %dma_wait3A_998] : memref<16x2048x1024xf32, #tpu.memory_space<any>> -> memref<1x512x1024xf32, #tpu.memory_space<any>>
    %dma_wait3A_1000 = tpu.memref_squeeze %dma_wait3A_999 : memref<1x512x1024xf32, #tpu.memory_space<any>> -> memref<512x1024xf32, #tpu.memory_space<any>>
    %dma_wait3A_1001 = arith.constant 1536 : i32
    %dma_wait3A_1002 = arith.constant 0 : i32
    %dma_wait3A_1003 = tpu.memref_slice %arg3[%dma_wait3A_1001, %dma_wait3A_1002] : memref<2048x1024xf32, #tpu.memory_space<vmem>> -> memref<512x1024xf32, #tpu.memory_space<vmem>>
    tpu.wait_dma2 semaphore(%arg4 : memref<!tpu.dma_semaphore, #tpu.memory_space<semaphore_mem>>) src(%dma_wait3A_1003 : memref<512x1024xf32, #tpu.memory_space<vmem>>) dst(%dma_wait3A_1000 : memref<512x1024xf32, #tpu.memory_space<any>>)
    %dma_wait3A_1004 = arith.constant 1 : i32
    %dma_wait3A_1005 = arith.constant 1536 : i32
    %dma_wait3A_1006 = arith.constant 0 : i32
    %dma_wait3A_1007 = tpu.memref_slice %arg2[%dma_wait3A_1004, %dma_wait3A_1005, %dma_wait3A_1006] : memref<16x2048x1024xf32, #tpu.memory_space<any>> -> memref<1x512x1024xf32, #tpu.memory_space<any>>
    %dma_wait3A_1008 = tpu.memref_squeeze %dma_wait3A_1007 : memref<1x512x1024xf32, #tpu.memory_space<any>> -> memref<512x1024xf32, #tpu.memory_space<any>>
    %dma_wait3A_1009 = arith.constant 1536 : i32
    %dma_wait3A_1010 = arith.constant 0 : i32
    %dma_wait3A_1011 = tpu.memref_slice %arg3[%dma_wait3A_1009, %dma_wait3A_1010] : memref<2048x1024xf32, #tpu.memory_space<vmem>> -> memref<512x1024xf32, #tpu.memory_space<vmem>>
    tpu.wait_dma2 semaphore(%arg5 : memref<!tpu.dma_semaphore, #tpu.memory_space<semaphore_mem>>) src(%dma_wait3A_1011 : memref<512x1024xf32, #tpu.memory_space<vmem>>) dst(%dma_wait3A_1008 : memref<512x1024xf32, #tpu.memory_space<any>>)
    %dma_wait3A_1012 = arith.constant 2 : i32
    %dma_wait3A_1013 = arith.constant 1536 : i32
    %dma_wait3A_1014 = arith.constant 0 : i32
    %dma_wait3A_1015 = tpu.memref_slice %arg2[%dma_wait3A_1012, %dma_wait3A_1013, %dma_wait3A_1014] : memref<16x2048x1024xf32, #tpu.memory_space<any>> -> memref<1x512x1024xf32, #tpu.memory_space<any>>
    %dma_wait3A_1016 = tpu.memref_squeeze %dma_wait3A_1015 : memref<1x512x1024xf32, #tpu.memory_space<any>> -> memref<512x1024xf32, #tpu.memory_space<any>>
    %dma_wait3A_1017 = arith.constant 1536 : i32
    %dma_wait3A_1018 = arith.constant 0 : i32
    %dma_wait3A_1019 = tpu.memref_slice %arg3[%dma_wait3A_1017, %dma_wait3A_1018] : memref<2048x1024xf32, #tpu.memory_space<vmem>> -> memref<512x1024xf32, #tpu.memory_space<vmem>>
    tpu.wait_dma2 semaphore(%arg6 : memref<!tpu.dma_semaphore, #tpu.memory_space<semaphore_mem>>) src(%dma_wait3A_1019 : memref<512x1024xf32, #tpu.memory_space<vmem>>) dst(%dma_wait3A_1016 : memref<512x1024xf32, #tpu.memory_space<any>>)
    %dma_wait3A_1020 = arith.constant 3 : i32
    %dma_wait3A_1021 = arith.constant 1536 : i32
    %dma_wait3A_1022 = arith.constant 0 : i32
    %dma_wait3A_1023 = tpu.memref_slice %arg2[%dma_wait3A_1020, %dma_wait3A_1021, %dma_wait3A_1022] : memref<16x2048x1024xf32, #tpu.memory_space<any>> -> memref<1x512x1024xf32, #tpu.memory_space<any>>
    %dma_wait3A_1024 = tpu.memref_squeeze %dma_wait3A_1023 : memref<1x512x1024xf32, #tpu.memory_space<any>> -> memref<512x1024xf32, #tpu.memory_space<any>>
    %dma_wait3A_1025 = arith.constant 1536 : i32
    %dma_wait3A_1026 = arith.constant 0 : i32
    %dma_wait3A_1027 = tpu.memref_slice %arg3[%dma_wait3A_1025, %dma_wait3A_1026] : memref<2048x1024xf32, #tpu.memory_space<vmem>> -> memref<512x1024xf32, #tpu.memory_space<vmem>>
    tpu.wait_dma2 semaphore(%arg7 : memref<!tpu.dma_semaphore, #tpu.memory_space<semaphore_mem>>) src(%dma_wait3A_1027 : memref<512x1024xf32, #tpu.memory_space<vmem>>) dst(%dma_wait3A_1024 : memref<512x1024xf32, #tpu.memory_space<any>>)
    %dma_wait3A_1028 = arith.constant 4 : i32
    %dma_wait3A_1029 = arith.constant 1536 : i32
    %dma_wait3A_1030 = arith.constant 0 : i32
    %dma_wait3A_1031 = tpu.memref_slice %arg2[%dma_wait3A_1028, %dma_wait3A_1029, %dma_wait3A_1030] : memref<16x2048x1024xf32, #tpu.memory_space<any>> -> memref<1x512x1024xf32, #tpu.memory_space<any>>
    %dma_wait3A_1032 = tpu.memref_squeeze %dma_wait3A_1031 : memref<1x512x1024xf32, #tpu.memory_space<any>> -> memref<512x1024xf32, #tpu.memory_space<any>>
    %dma_wait3A_1033 = arith.constant 1536 : i32
    %dma_wait3A_1034 = arith.constant 0 : i32
    %dma_wait3A_1035 = tpu.memref_slice %arg3[%dma_wait3A_1033, %dma_wait3A_1034] : memref<2048x1024xf32, #tpu.memory_space<vmem>> -> memref<512x1024xf32, #tpu.memory_space<vmem>>
    tpu.wait_dma2 semaphore(%arg4 : memref<!tpu.dma_semaphore, #tpu.memory_space<semaphore_mem>>) src(%dma_wait3A_1035 : memref<512x1024xf32, #tpu.memory_space<vmem>>) dst(%dma_wait3A_1032 : memref<512x1024xf32, #tpu.memory_space<any>>)
    %dma_wait3A_1036 = arith.constant 5 : i32
    %dma_wait3A_1037 = arith.constant 1536 : i32
    %dma_wait3A_1038 = arith.constant 0 : i32
    %dma_wait3A_1039 = tpu.memref_slice %arg2[%dma_wait3A_1036, %dma_wait3A_1037, %dma_wait3A_1038] : memref<16x2048x1024xf32, #tpu.memory_space<any>> -> memref<1x512x1024xf32, #tpu.memory_space<any>>
    %dma_wait3A_1040 = tpu.memref_squeeze %dma_wait3A_1039 : memref<1x512x1024xf32, #tpu.memory_space<any>> -> memref<512x1024xf32, #tpu.memory_space<any>>
    %dma_wait3A_1041 = arith.constant 1536 : i32
    %dma_wait3A_1042 = arith.constant 0 : i32
    %dma_wait3A_1043 = tpu.memref_slice %arg3[%dma_wait3A_1041, %dma_wait3A_1042] : memref<2048x1024xf32, #tpu.memory_space<vmem>> -> memref<512x1024xf32, #tpu.memory_space<vmem>>
    tpu.wait_dma2 semaphore(%arg5 : memref<!tpu.dma_semaphore, #tpu.memory_space<semaphore_mem>>) src(%dma_wait3A_1043 : memref<512x1024xf32, #tpu.memory_space<vmem>>) dst(%dma_wait3A_1040 : memref<512x1024xf32, #tpu.memory_space<any>>)
    %dma_wait3A_1044 = arith.constant 6 : i32
    %dma_wait3A_1045 = arith.constant 1536 : i32
    %dma_wait3A_1046 = arith.constant 0 : i32
    %dma_wait3A_1047 = tpu.memref_slice %arg2[%dma_wait3A_1044, %dma_wait3A_1045, %dma_wait3A_1046] : memref<16x2048x1024xf32, #tpu.memory_space<any>> -> memref<1x512x1024xf32, #tpu.memory_space<any>>
    %dma_wait3A_1048 = tpu.memref_squeeze %dma_wait3A_1047 : memref<1x512x1024xf32, #tpu.memory_space<any>> -> memref<512x1024xf32, #tpu.memory_space<any>>
    %dma_wait3A_1049 = arith.constant 1536 : i32
    %dma_wait3A_1050 = arith.constant 0 : i32
    %dma_wait3A_1051 = tpu.memref_slice %arg3[%dma_wait3A_1049, %dma_wait3A_1050] : memref<2048x1024xf32, #tpu.memory_space<vmem>> -> memref<512x1024xf32, #tpu.memory_space<vmem>>
    tpu.wait_dma2 semaphore(%arg6 : memref<!tpu.dma_semaphore, #tpu.memory_space<semaphore_mem>>) src(%dma_wait3A_1051 : memref<512x1024xf32, #tpu.memory_space<vmem>>) dst(%dma_wait3A_1048 : memref<512x1024xf32, #tpu.memory_space<any>>)
    %dma_wait3A_1052 = arith.constant 7 : i32
    %dma_wait3A_1053 = arith.constant 1536 : i32
    %dma_wait3A_1054 = arith.constant 0 : i32
    %dma_wait3A_1055 = tpu.memref_slice %arg2[%dma_wait3A_1052, %dma_wait3A_1053, %dma_wait3A_1054] : memref<16x2048x1024xf32, #tpu.memory_space<any>> -> memref<1x512x1024xf32, #tpu.memory_space<any>>
    %dma_wait3A_1056 = tpu.memref_squeeze %dma_wait3A_1055 : memref<1x512x1024xf32, #tpu.memory_space<any>> -> memref<512x1024xf32, #tpu.memory_space<any>>
    %dma_wait3A_1057 = arith.constant 1536 : i32
    %dma_wait3A_1058 = arith.constant 0 : i32
    %dma_wait3A_1059 = tpu.memref_slice %arg3[%dma_wait3A_1057, %dma_wait3A_1058] : memref<2048x1024xf32, #tpu.memory_space<vmem>> -> memref<512x1024xf32, #tpu.memory_space<vmem>>
    tpu.wait_dma2 semaphore(%arg7 : memref<!tpu.dma_semaphore, #tpu.memory_space<semaphore_mem>>) src(%dma_wait3A_1059 : memref<512x1024xf32, #tpu.memory_space<vmem>>) dst(%dma_wait3A_1056 : memref<512x1024xf32, #tpu.memory_space<any>>)
    %dma_wait3A_1060 = arith.constant 8 : i32
    %dma_wait3A_1061 = arith.constant 1536 : i32
    %dma_wait3A_1062 = arith.constant 0 : i32
    %dma_wait3A_1063 = tpu.memref_slice %arg2[%dma_wait3A_1060, %dma_wait3A_1061, %dma_wait3A_1062] : memref<16x2048x1024xf32, #tpu.memory_space<any>> -> memref<1x512x1024xf32, #tpu.memory_space<any>>
    %dma_wait3A_1064 = tpu.memref_squeeze %dma_wait3A_1063 : memref<1x512x1024xf32, #tpu.memory_space<any>> -> memref<512x1024xf32, #tpu.memory_space<any>>
    %dma_wait3A_1065 = arith.constant 1536 : i32
    %dma_wait3A_1066 = arith.constant 0 : i32
    %dma_wait3A_1067 = tpu.memref_slice %arg3[%dma_wait3A_1065, %dma_wait3A_1066] : memref<2048x1024xf32, #tpu.memory_space<vmem>> -> memref<512x1024xf32, #tpu.memory_space<vmem>>
    tpu.wait_dma2 semaphore(%arg4 : memref<!tpu.dma_semaphore, #tpu.memory_space<semaphore_mem>>) src(%dma_wait3A_1067 : memref<512x1024xf32, #tpu.memory_space<vmem>>) dst(%dma_wait3A_1064 : memref<512x1024xf32, #tpu.memory_space<any>>)
    %dma_wait3A_1068 = arith.constant 9 : i32
    %dma_wait3A_1069 = arith.constant 1536 : i32
    %dma_wait3A_1070 = arith.constant 0 : i32
    %dma_wait3A_1071 = tpu.memref_slice %arg2[%dma_wait3A_1068, %dma_wait3A_1069, %dma_wait3A_1070] : memref<16x2048x1024xf32, #tpu.memory_space<any>> -> memref<1x512x1024xf32, #tpu.memory_space<any>>
    %dma_wait3A_1072 = tpu.memref_squeeze %dma_wait3A_1071 : memref<1x512x1024xf32, #tpu.memory_space<any>> -> memref<512x1024xf32, #tpu.memory_space<any>>
    %dma_wait3A_1073 = arith.constant 1536 : i32
    %dma_wait3A_1074 = arith.constant 0 : i32
    %dma_wait3A_1075 = tpu.memref_slice %arg3[%dma_wait3A_1073, %dma_wait3A_1074] : memref<2048x1024xf32, #tpu.memory_space<vmem>> -> memref<512x1024xf32, #tpu.memory_space<vmem>>
    tpu.wait_dma2 semaphore(%arg5 : memref<!tpu.dma_semaphore, #tpu.memory_space<semaphore_mem>>) src(%dma_wait3A_1075 : memref<512x1024xf32, #tpu.memory_space<vmem>>) dst(%dma_wait3A_1072 : memref<512x1024xf32, #tpu.memory_space<any>>)
    %dma_wait3A_1076 = arith.constant 10 : i32
    %dma_wait3A_1077 = arith.constant 1536 : i32
    %dma_wait3A_1078 = arith.constant 0 : i32
    %dma_wait3A_1079 = tpu.memref_slice %arg2[%dma_wait3A_1076, %dma_wait3A_1077, %dma_wait3A_1078] : memref<16x2048x1024xf32, #tpu.memory_space<any>> -> memref<1x512x1024xf32, #tpu.memory_space<any>>
    %dma_wait3A_1080 = tpu.memref_squeeze %dma_wait3A_1079 : memref<1x512x1024xf32, #tpu.memory_space<any>> -> memref<512x1024xf32, #tpu.memory_space<any>>
    %dma_wait3A_1081 = arith.constant 1536 : i32
    %dma_wait3A_1082 = arith.constant 0 : i32
    %dma_wait3A_1083 = tpu.memref_slice %arg3[%dma_wait3A_1081, %dma_wait3A_1082] : memref<2048x1024xf32, #tpu.memory_space<vmem>> -> memref<512x1024xf32, #tpu.memory_space<vmem>>
    tpu.wait_dma2 semaphore(%arg6 : memref<!tpu.dma_semaphore, #tpu.memory_space<semaphore_mem>>) src(%dma_wait3A_1083 : memref<512x1024xf32, #tpu.memory_space<vmem>>) dst(%dma_wait3A_1080 : memref<512x1024xf32, #tpu.memory_space<any>>)
    %dma_wait3A_1084 = arith.constant 11 : i32
    %dma_wait3A_1085 = arith.constant 1536 : i32
    %dma_wait3A_1086 = arith.constant 0 : i32
    %dma_wait3A_1087 = tpu.memref_slice %arg2[%dma_wait3A_1084, %dma_wait3A_1085, %dma_wait3A_1086] : memref<16x2048x1024xf32, #tpu.memory_space<any>> -> memref<1x512x1024xf32, #tpu.memory_space<any>>
    %dma_wait3A_1088 = tpu.memref_squeeze %dma_wait3A_1087 : memref<1x512x1024xf32, #tpu.memory_space<any>> -> memref<512x1024xf32, #tpu.memory_space<any>>
    %dma_wait3A_1089 = arith.constant 1536 : i32
    %dma_wait3A_1090 = arith.constant 0 : i32
    %dma_wait3A_1091 = tpu.memref_slice %arg3[%dma_wait3A_1089, %dma_wait3A_1090] : memref<2048x1024xf32, #tpu.memory_space<vmem>> -> memref<512x1024xf32, #tpu.memory_space<vmem>>
    tpu.wait_dma2 semaphore(%arg7 : memref<!tpu.dma_semaphore, #tpu.memory_space<semaphore_mem>>) src(%dma_wait3A_1091 : memref<512x1024xf32, #tpu.memory_space<vmem>>) dst(%dma_wait3A_1088 : memref<512x1024xf32, #tpu.memory_space<any>>)
    %dma_wait3A_1092 = arith.constant 12 : i32
    %dma_wait3A_1093 = arith.constant 1536 : i32
    %dma_wait3A_1094 = arith.constant 0 : i32
    %dma_wait3A_1095 = tpu.memref_slice %arg2[%dma_wait3A_1092, %dma_wait3A_1093, %dma_wait3A_1094] : memref<16x2048x1024xf32, #tpu.memory_space<any>> -> memref<1x512x1024xf32, #tpu.memory_space<any>>
    %dma_wait3A_1096 = tpu.memref_squeeze %dma_wait3A_1095 : memref<1x512x1024xf32, #tpu.memory_space<any>> -> memref<512x1024xf32, #tpu.memory_space<any>>
    %dma_wait3A_1097 = arith.constant 1536 : i32
    %dma_wait3A_1098 = arith.constant 0 : i32
    %dma_wait3A_1099 = tpu.memref_slice %arg3[%dma_wait3A_1097, %dma_wait3A_1098] : memref<2048x1024xf32, #tpu.memory_space<vmem>> -> memref<512x1024xf32, #tpu.memory_space<vmem>>
    tpu.wait_dma2 semaphore(%arg4 : memref<!tpu.dma_semaphore, #tpu.memory_space<semaphore_mem>>) src(%dma_wait3A_1099 : memref<512x1024xf32, #tpu.memory_space<vmem>>) dst(%dma_wait3A_1096 : memref<512x1024xf32, #tpu.memory_space<any>>)
    %dma_wait3A_1100 = arith.constant 13 : i32
    %dma_wait3A_1101 = arith.constant 1536 : i32
    %dma_wait3A_1102 = arith.constant 0 : i32
    %dma_wait3A_1103 = tpu.memref_slice %arg2[%dma_wait3A_1100, %dma_wait3A_1101, %dma_wait3A_1102] : memref<16x2048x1024xf32, #tpu.memory_space<any>> -> memref<1x512x1024xf32, #tpu.memory_space<any>>
    %dma_wait3A_1104 = tpu.memref_squeeze %dma_wait3A_1103 : memref<1x512x1024xf32, #tpu.memory_space<any>> -> memref<512x1024xf32, #tpu.memory_space<any>>
    %dma_wait3A_1105 = arith.constant 1536 : i32
    %dma_wait3A_1106 = arith.constant 0 : i32
    %dma_wait3A_1107 = tpu.memref_slice %arg3[%dma_wait3A_1105, %dma_wait3A_1106] : memref<2048x1024xf32, #tpu.memory_space<vmem>> -> memref<512x1024xf32, #tpu.memory_space<vmem>>
    tpu.wait_dma2 semaphore(%arg5 : memref<!tpu.dma_semaphore, #tpu.memory_space<semaphore_mem>>) src(%dma_wait3A_1107 : memref<512x1024xf32, #tpu.memory_space<vmem>>) dst(%dma_wait3A_1104 : memref<512x1024xf32, #tpu.memory_space<any>>)
    %dma_wait3A_1108 = arith.constant 14 : i32
    %dma_wait3A_1109 = arith.constant 1536 : i32
    %dma_wait3A_1110 = arith.constant 0 : i32
    %dma_wait3A_1111 = tpu.memref_slice %arg2[%dma_wait3A_1108, %dma_wait3A_1109, %dma_wait3A_1110] : memref<16x2048x1024xf32, #tpu.memory_space<any>> -> memref<1x512x1024xf32, #tpu.memory_space<any>>
    %dma_wait3A_1112 = tpu.memref_squeeze %dma_wait3A_1111 : memref<1x512x1024xf32, #tpu.memory_space<any>> -> memref<512x1024xf32, #tpu.memory_space<any>>
    %dma_wait3A_1113 = arith.constant 1536 : i32
    %dma_wait3A_1114 = arith.constant 0 : i32
    %dma_wait3A_1115 = tpu.memref_slice %arg3[%dma_wait3A_1113, %dma_wait3A_1114] : memref<2048x1024xf32, #tpu.memory_space<vmem>> -> memref<512x1024xf32, #tpu.memory_space<vmem>>
    tpu.wait_dma2 semaphore(%arg6 : memref<!tpu.dma_semaphore, #tpu.memory_space<semaphore_mem>>) src(%dma_wait3A_1115 : memref<512x1024xf32, #tpu.memory_space<vmem>>) dst(%dma_wait3A_1112 : memref<512x1024xf32, #tpu.memory_space<any>>)
    %dma_wait3A_1116 = arith.constant 15 : i32
    %dma_wait3A_1117 = arith.constant 1536 : i32
    %dma_wait3A_1118 = arith.constant 0 : i32
    %dma_wait3A_1119 = tpu.memref_slice %arg2[%dma_wait3A_1116, %dma_wait3A_1117, %dma_wait3A_1118] : memref<16x2048x1024xf32, #tpu.memory_space<any>> -> memref<1x512x1024xf32, #tpu.memory_space<any>>
    %dma_wait3A_1120 = tpu.memref_squeeze %dma_wait3A_1119 : memref<1x512x1024xf32, #tpu.memory_space<any>> -> memref<512x1024xf32, #tpu.memory_space<any>>
    %dma_wait3A_1121 = arith.constant 1536 : i32
    %dma_wait3A_1122 = arith.constant 0 : i32
    %dma_wait3A_1123 = tpu.memref_slice %arg3[%dma_wait3A_1121, %dma_wait3A_1122] : memref<2048x1024xf32, #tpu.memory_space<vmem>> -> memref<512x1024xf32, #tpu.memory_space<vmem>>
    tpu.wait_dma2 semaphore(%arg7 : memref<!tpu.dma_semaphore, #tpu.memory_space<semaphore_mem>>) src(%dma_wait3A_1123 : memref<512x1024xf32, #tpu.memory_space<vmem>>) dst(%dma_wait3A_1120 : memref<512x1024xf32, #tpu.memory_space<any>>)
    return
  }
}

</mosaic_0001>

<sc_bundles>
// kernel: kernel.4.cloned.1.call-start
scs
__scs_entry_jumppad:
0x0: {  	(pc) =	sbr.rel $0x88, $3  }
0x1: {  	(tag) =	ssettag $0x0;
	lr =	simm.s32 $0x1  }
0x2: {  	[smem:$0x3F9E] =	sst lr;
	_ =	strace $0xD0000000  }
0x3: {  	_ = 	snop  }
0x4: {  	_ = 	snop  }
0x5: {  	_ = 	snop  }
0x6: {  	_ = 	snop  }
0x7: {  	_ = 	snop  }
__scs_overlays_trampoline_lowered:
0x8: {  	[smem:$0x3FAD] =	sst s0  }
0x9: {  	[smem:$0x3FAE] =	sst s1  }
0xa: {  	[smem:$0x3FAF] =	sst s2  }
0xb: {  	[smem:$0x3FB0] =	sst s3  }
0xc: {  	[smem:$0x3FB1] =	sst s4  }
0xd: {  	[smem:$0x3FB2] =	sst s5  }
0xe: {  	[smem:$0x3FB3] =	sst s6  }
0xf: {  	[smem:$0x3FB4] =	sst s7  }
0x10: {  	[smem:$0x3FB5] =	sst s8  }
0x11: {  	[smem:$0x3FB6] =	sst s9;
	s0 =	simm.s32 @!p0 $0x0  }
0x12: {  	s1 =	sld [smem:$0x3F9C];
	s0 =	simm.s32 @p0 $0x1  }
0x13: {  	[smem:$0x3FB7] =	sst s0;
	s0 =	simm.s32 @!p1 $0x0  }
0x14: {  	s2 =	sld [smem:$0x3F9B];
	s0 =	simm.s32 @p1 $0x1  }
0x15: {  	[smem:$0x3FB8] =	sst s0;
	s0 =	simm.s32 @!p2 $0x0  }
0x16: {  	s3 =	sld [smem:$0x3FDB];
	s0 =	simm.s32 @p2 $0x1  }
0x17: {  	s4 =	simm.s32 $0x1BF5;
	[smem:$0x3FBA] =	sst s0  }
0x18: {  	s0 =	sld [smem:$0x3F9D];
	_ =	swait.ge [sflag:s4], $0x0  }
0x19: {  	s7 =	sld [smem:$0x3F9E]  }
0x1a: {  	s8 =	sadd.s32 $0xFFFFE003, lr  }
0x1b: {  	s9 =	sadd.s32 $0xFFFFFEF7, lr;
	s5 =	simm.s32 $0xFFFFFFFF;
	p2 =	slt.u32 s8, $0xFFFFF086  }
0x1c: {  	p1 =	slt.u32 s9, $0xF7A;
	s5 =	simm.s32 @!p2 $0x0  }
0x1d: {  	s5 =	simm.s32 @p1 $0x1;
	p0 =	seq.s32 s7, s2  }
0x1e: {  	s7 =	smul.u32 @!p0 $0xF7A, s2;
	p2 =	seq.s32 @!p0 s5, $0x0  }
0x1f: {  	s9 =	smul.u32 $0xF7A, s1;
	s8 =	simm.s32 @!p0 $0x1BF5;
	p2 =	por !p2, p0  }
0x20: {  	[sflag:s8] =	ssyncset.s32 @!p0 $0xFFFFF086;
	s6 =	sadd.s32 @!p0 s3, s7;
	s7 =	simm.s32 @!p0 $0x108  }
0x21: {  	s3 =	sadd.s32 s3, s9;
	s6 =	sadd.s32 @!p0 $0x88, s6;
	s7 =	simm.s32 @p2 $0x1082  }
0x22: {  	[simem:s7], [sflag:s8] =	dma.local @!p0 [hbm:s6], $0xF7A  }
0x23: {  	s9 =	sor.u32 $0xD0000000, s2;
	s6 =	simm.s32 $0x108;
	_ =	swait.ge @!p0 [sflag:s8], $0x0  }
0x24: {  	s3 =	sadd.s32 $0x88, s3;
	s6 =	simm.s32 @!p1 $0x1082;
	[sflag:s4] =	ssyncset.s32 $0xFFFFF086  }
0x25: {  	[simem:s6], [sflag:s4] =	dma.local [hbm:s3], $0xF7A  }
0x26: {  	[smem:$0x3F9E] =	sst s1;
	(tag) =	ssettag s2;
	_ =	strace s9  }
0x27: {  	s1 =	sld [smem:$0x3FAE]  }
0x28: {  	s2 =	sld [smem:$0x3FAF]  }
0x29: {  	s4 =	sld [smem:$0x3FB1]  }
0x2a: {  	p0 =	seq.s32 s5, $0x0;
	s5 =	sld [smem:$0x3FB2]  }
0x2b: {  	s6 =	sld [smem:$0x3FB3]  }
0x2c: {  	s7 =	sld [smem:$0x3FB4]  }
0x2d: {  	s3 =	simm.s32 $0x108;
	s8 =	sld [smem:$0x3FB5]  }
0x2e: {  	s3 =	simm.s32 @!p0 $0x1082;
	s9 =	sld [smem:$0x3FB6]  }
0x2f: {  	lr =	sadd.s32 s0, s3;
	s0 =	sld [smem:$0x3FAD]  }
0x30: {  	s3 =	sld [smem:$0x3FB0]  }
0x31: {  	[smem:$0x3FB9] =	sst s10  }
0x32: {  	s10 =	sld [smem:$0x3FB7];
	_ =	sdelay $0x3  }
0x33: {  	p0 =	seq.s32 s10, $0x1;
	s10 =	sld [smem:$0x3FB9];
	_ =	sdelay $0x3  }
0x34: {  	[smem:$0x3FB9] =	sst s10  }
0x35: {  	s10 =	sld [smem:$0x3FB8];
	_ =	sdelay $0x3  }
0x36: {  	p1 =	seq.s32 s10, $0x1;
	s10 =	sld [smem:$0x3FB9];
	_ =	sdelay $0x3  }
0x37: {  	[smem:$0x3FB9] =	sst s10  }
0x38: {  	s10 =	sld [smem:$0x3FBA]  }
0x39: {  	_ = 	snop;
	(pc) =	sbr.ind lr, $3  }
0x3a: {  	_ = 	snop  }
0x3b: {  	_ = 	snop  }
0x3c: {  	p2 =	seq.s32 s10, $0x1;
	s10 =	sld [smem:$0x3FB9]  }
0x3d: {  	_ =	shalt  }
0x3e: {  	_ =	shalt  }
0x3f: {  	_ =	shalt  }
0x40: {  	_ =	shalt  }
0x41: {  	_ =	shalt  }
0x42: {  	_ =	shalt  }
0x43: {  	_ =	shalt  }
0x44: {  	_ =	shalt  }
0x45: {  	_ =	shalt  }
0x46: {  	_ =	shalt  }
0x47: {  	_ =	shalt  }
0x48: {  	_ =	shalt  }
0x49: {  	_ =	shalt  }
0x4a: {  	_ =	shalt  }
0x4b: {  	_ =	shalt  }
0x4c: {  	_ =	shalt  }
0x4d: {  	_ =	shalt  }
0x4e: {  	_ =	shalt  }
0x4f: {  	_ =	shalt  }
0x50: {  	_ =	shalt  }
0x51: {  	_ =	shalt  }
0x52: {  	_ =	shalt  }
0x53: {  	_ =	shalt  }
0x54: {  	_ =	shalt  }
0x55: {  	_ =	shalt  }
0x56: {  	_ =	shalt  }
0x57: {  	_ =	shalt  }
0x58: {  	_ =	shalt  }
0x59: {  	_ =	shalt  }
0x5a: {  	_ =	shalt  }
0x5b: {  	_ =	shalt  }
0x5c: {  	_ =	shalt  }
0x5d: {  	_ =	shalt  }
0x5e: {  	_ =	shalt  }
0x5f: {  	_ =	shalt  }
0x60: {  	_ =	shalt  }
0x61: {  	_ =	shalt  }
0x62: {  	_ =	shalt  }
0x63: {  	_ =	shalt  }
0x64: {  	_ =	shalt  }
0x65: {  	_ =	shalt  }
0x66: {  	_ =	shalt  }
0x67: {  	_ =	shalt  }
0x68: {  	_ =	shalt  }
0x69: {  	_ =	shalt  }
0x6a: {  	_ =	shalt  }
0x6b: {  	_ =	shalt  }
0x6c: {  	_ =	shalt  }
0x6d: {  	_ =	shalt  }
0x6e: {  	_ =	shalt  }
0x6f: {  	_ =	shalt  }
0x70: {  	_ =	shalt  }
0x71: {  	_ =	shalt  }
0x72: {  	_ =	shalt  }
0x73: {  	_ =	shalt  }
0x74: {  	_ =	shalt  }
0x75: {  	_ =	shalt  }
0x76: {  	_ =	shalt  }
0x77: {  	_ =	shalt  }
0x78: {  	_ =	shalt  }
0x79: {  	_ =	shalt  }
0x7a: {  	_ =	shalt  }
0x7b: {  	_ =	shalt  }
0x7c: {  	_ =	shalt  }
0x7d: {  	_ =	shalt  }
0x7e: {  	_ =	shalt  }
0x7f: {  	_ =	shalt  }
0x80: {  	_ =	shalt  }
0x81: {  	_ =	shalt  }
0x82: {  	_ =	shalt  }
0x83: {  	_ =	shalt  }
0x84: {  	_ =	shalt  }
0x85: {  	_ =	shalt  }
0x86: {  	_ =	shalt  }
0x87: {  	_ =	shalt  }
.Lfunc_end0:
.L_simem_size_0:
called_computation_lowered:
.L_overlay_start_0:
0x88: {  	s2 =	sld [smem:$0x3FD9]  }
0x89: {  	s3 =	sld [smem:$0x3FFE];
	_ =	sdelay $0x1  }
0x8a: {  	s1 =	srdreg.scid  }
0x8b: {  	s0 =	sand.u32 $0x1, s1  }
0x8c: {  	s15 =	sshll.u32 s0, $0xA;
	s2 =	sadd.s32 s3, s2  }
0x8d: {  	s2 =	sadd.s32 s2, s15  }
0x8e: {  	[smem:$0x3FC5] =	sst s2  }
0x8f: {  	_ = 	snop  }
0x90: {  	s2 =	sld [smem:$0x3FD0];
	_ =	sdelay $0x1  }
0x91: {  	s16 =	sld [smem:$0x3FC9]  }
0x92: {  	s5 =	simm.s32 $0xA;
	s6 =	simm.s32 $0x10;
	s4 =	sld [smem:$0x3FC8]  }
0x93: {  	[smem:s6], [sflag:s5] =	dma.local [hbm:s2], $0x1  }
0x94: {  	_ =	swait.eq [sflag:s5], $0x1  }
0x95: {  	[sflag:s5] =	ssyncset.done $0x0  }
0x96: {  	[sflag:s5] =	ssyncadd.s32 $0xFFFFFFFF  }
0x97: {  	s17 =	sld [smem:$0x10];
	(tm) =	ssettm $0x1  }
0x98: {  	s18 =	sld [smem:$0x3FFB];
	_ =	sdelay $0x3  }
0x99: {  	_ =	strace s18  }
0x9a: {  	s5 =	sld [smem:$0x3FFC];
	_ =	sdelay $0x3  }
0x9b: {  	_ =	strace s5  }
0x9c: {  	s5 =	sld [smem:$0x3FFD];
	_ =	sdelay $0x3  }
0x9d: {  	_ =	strace s5  }
0x9e: {  	_ =	strace $0x8FFFFFFF  }
0x9f: {  	s19 =	sld [smem:$0x3FDB];
	_ =	sdelay $0x1  }
0xa0: {  	s20 =	simm.s32 $_scs_section_size  }
0xa1: {  	s7 =	simm.s32 $_size__tile_overlayer_lowered;
	s8 =	simm.s32 $_tile_overlayer_lowered  }
0xa2: {  	s23 =	simm.s32 $0x1BFF;
	s22 =	sshll.u32 s8, $0x1;
	s5 =	sadd.s32 s20, s19  }
0xa3: {  	s9 =	simm.s32 $0x0;
	s21 =	sshll.u32 s7, $0x1;
	s7 =	sadd.s32 s22, s5  }
0xa4: {  	[timem:s9], [sflag:s23] =	dma.local [hbm:s7], s21  }
0xa5: {  	_ =	swait.ge [sflag:s23], s21  }
0xa6: {  	s6 =	ssub.s32 $0x0, s21;
	[sflag:s23] =	ssyncset.done $0x0  }
0xa7: {  	[sflag:s23] =	ssyncadd.s32 s6;
	_ =	sdelay $0x1  }
0xa8: {  	s24 =	simm.s32 $0x1B8B  }
0xa9: {  	_ =	swait.ge [sflag:s24], $0x1  }
0xaa: {  	[sflag:s24] =	ssyncset.done $0x0  }
0xab: {  	s25 =	simm.s32 $0x1B8E;
	[sflag:s24] =	ssyncadd.s32 $0xFFFFFFFF  }
0xac: {  	s26 =	simm.s32 $execute0_lowered;
	[smem:$0x3FD2] =	sst s25  }
0xad: {  	s6 =	sshll.u32 s26, $0x1;
	_ =	strace $0x80000046;
	[dreg:$0x1] =	wrdreg $0xFFFFFFFF  }
0xae: {  	s28 =	simm.s32 $_size_execute0_lowered;
	s5 =	sadd.s32 s5, s6;
	[dreg:$0x0] =	wrdreg $0x0  }
0xaf: {  	s6 =	sshll.u32 s28, $0x1;
	[dreg:$0x2] =	wrdreg s5  }
0xb0: {  	[dreg:$0x3] =	wrdreg s6  }
0xb1: {  	[dreg:$0x4] =	wrdreg $0xC0  }
0xb2: {  	_ =	task [dreg:s9], $0x5FFFF  }
0xb3: {  	[dreg:$0x1] =	wrdreg $0xFFFFFFFF  }
0xb4: {  	[dreg:$0x0] =	wrdreg $0x60  }
0xb5: {  	[dreg:$0x2] =	wrdreg s4  }
0xb6: {  	[dreg:$0x3] =	wrdreg s16  }
0xb7: {  	[dreg:$0x4] =	wrdreg s17  }
0xb8: {  	[dreg:$0x5] =	wrdreg $0x9  }
0xb9: {  	_ =	task.clear_ibuf [dreg:s9], $0x6FFFF;
	_ =	strace $0x90000046  }
0xba: {  	s29 =	simm.s32 $0x9;
	_ =	strace $0x80000048  }
0xbb: {  	_ =	swait.ge [sflag:s29], $0x1  }
0xbc: {  	[sflag:s29] =	ssyncadd.s32 $0xFFFFFFFF  }
0xbd: {  	_ =	strace $0x90000048  }
0xbe: {  	_ =	sfence  }
0xbf: {  	s30 =	sld [smem:$0x0];
	_ =	sdelay $0x2  }
0xc0: {  	s31 =	sshll.u32 s1, $0xD;
	s1 =	sshrl.u32 s1, $0x2  }
0xc1: {  	s3 =	sand.u32 $0x4000, s31;
	s1 =	sadd.s32 s1, s30  }
0xc2: {  	s0 =	sor.u32 s3, s0;
	s1 =	sshll.u32 s1, $0x11  }
0xc3: {  	s0 =	sor.u32 s1, s0  }
0xc4: {  	s0 =	sadd.s32 $0x8F2B, s0  }
0xc5: {  	[sflag:s0] =	ssyncadd.remote.s32 $0x1  }
0xc6: {  	_ =	sfence.sel $0xFFFF  }
0xc7: {  	[dreg:$0x0] =	wrdreg $0xFFFFFFFF;
	(pc) =	sbr.abs _section_cstart, $3  }
0xc8: {  	[dreg:$0x1] =	wrdreg $0xFFFFFFFF  }
0xc9: {  	_ =	task.clear_ibuf [dreg:s9], $0x2FFFF;
	_ =	strace $0x9FFFFFFF  }
0xca: {  	(tm) =	ssettm $0x7FFFFFFF  }
0xcb: {  	_ =	shalt  }
tec
execute0_lowered:
.L_overlay_start_1:
0x0: {  	(tag) =	ssettag $0x1  }
0x1: {  	s1 =	rddreg [dreg:$0x0]  }
0x2: {  	s2 =	srdreg.scid;
	s6 =	rddreg [dreg:$0x1]  }
0x3: {  	s0 =	stileid.u32;
	s3 =	rddreg [dreg:$0x2];
	s4 =	simm.s32 $0x0  }
0x4: {  	s5 =	simm.s32 $0x1;
	s8 =	sand.u32 $0x1, s2;
	[smem:$0x7FF] =	sst s4  }
0x5: {  	s30 =	sshll.u32 s0, $0x4;
	s11 =	sshll.u32 s0, $0x9;
	s2 =	sor.u32 s8, s0  }
0x6: {  	s31 =	sshll.u32 s0, $0x6;
	p0 =	seq.s32 s8, $0x1;
	p1 =	seq.s32 s2, $0x0  }
0x7: {  	s29 =	ssub.s32 $0x2, s8;
	s11 =	sand.u32 $0x1000, s11;
	p1 =	por !p1, !p0  }
0x8: {  	s2 =	rddreg [dreg:$0x3];
	s9 =	sshrl.u32 s29, $0x1;
	p1 =	por !p1, !p1  }
0x9: {  	_ =	strace $0x80000047;
	s9 =	ssub.s32 s29, s9;
	s5 =	simm.s32 @!p1 $0x0  }
0xa: {  	p1 =	seq.s32 @!p0 s8, $0x0;
	s28 =	ssub.s32 s0, s5;
	s5 =	sand.u32 $0x70, s30  }
0xb: {  	p1 =	por p0, !p1;
	s7 =	sshrl.u32 s28, $0x3;
	s4 =	sshll.u32 s28, $0x7  }
0xc: {  	s10 =	sshll.u32 s7, $0xF;
	s4 =	sand.u32 $0x380, s4;
	s7 =	sshll.u32 s7, $0xE  }
0xd: {  	s5 =	sadd.s32 s3, s5;
	s10 =	sor.u32 s4, s10;
	s7 =	sor.u32 s4, s7  }
0xe: {  	s4 =	sadd.s32 s11, s5;
	s10 =	sshrl.u32 s10, $0x3;
	s7 =	sshrl.u32 s7, $0x3  }
0xf: {  	s10 =	sadd.s32 s10, s3;
	s3 =	simm.s32 $0x1;
	s6 =	sadd.s32 s6, s7  }
0x10: {  	s7 =	smax.u32 s9, $0x1;
	s9 =	sshll.u32 @!p0 s0, $0x6;
	s5 =	sadd.s32 $0x800, s10  }
0x11: {  	s8 =	sor.u32 @!p0 $0x1C01, s9;
	s9 =	sor.u32 $0x1C01, s31;
	s10 =	simm.s32 $0x80  }
.LBB2_1:
0x12: {  	s11 =	simm.s32 @!p0 $0x1;
	s12 =	simm.s32 @!p0 $0x80;
	s13 =	simm.s32 @!p0 $0x10  }
0x13: {  	[hbm:s4@s12], [sflag:s8] =	dma.strided @!p0 [hbm:s1@s13], $0x100, s11, $0x10   }
0x14: {  	s7 =	sadd.s32 $0xFFFFFFFF, s7;
	_ =	swait.ge @!p0 [sflag:s11], $0x100  }
0x15: {  	p2 =	sne.s32 s7, $0x0;
	[sflag:s11] =	ssyncset.done @!p0 $0x0  }
.Ltmp0:
0x16: {  	[sflag:s11] =	ssyncadd.s32 @!p0 $0xFFFFFF00;
	(pc) =	sbr.rel @p2 .LBB2_1-.Ltmp0, $4  }
0x17: {  	[hbm:s5@s10], [sflag:s9] =	dma.strided @p1 [hbm:s6@s10], $0x100, s3, $0x10   }
0x18: {  	_ =	swait.ge @p1 [sflag:s3], $0x100  }
0x19: {  	[sflag:s3] =	ssyncset.done @p1 $0x0  }
0x1a: {  	[sflag:s3] =	ssyncadd.s32 @p1 $0xFFFFFF00  }
0x1b: {  	_ =	sfence.sel $0x180000  }
0x1c: {  	[bflag:$0x0] =	sbarrier.arrive $0xFFFF  }
0x1d: {  	p0 =	sne.s32 s0, $0x0;
	_ =	strace $0x90000047  }
0x1e: {  	s0 =	sadd.s32 @!p0 $0x100000, s2;
	[bflag:$0x2] =	sbarrier.arrive $0xFFFF  }
0x1f: {  	[sflag:s0] =	ssyncadd.tile.s32 @!p0 $0x1;
	_ =	shalt  }
.Lfunc_end2:
_tile_overlayer_lowered:
.L_overlay_start_2:
0x20: {  	(tag) =	ssettag $0x2  }
0x21: {  	s0 =	rddreg [dreg:$0x0];
	s2 =	stileid.u32  }
0x22: {  	s1 =	rddreg [dreg:$0x1];
	p0 =	sne.s32 s2, $0x0  }
0x23: {  	s3 =	rddreg [dreg:$0x2];
	[bflag:$0x3] =	sbarrier.arrive $0xFFFF;
	s2 =	simm.s32 @!p0 $0x1C01  }
0x24: {  	[timem:s3], [sflag:s2] =	dma.local @!p0 [hbm:s0], s1  }
0x25: {  	s0 =	simm.s32 @!p0 $0x1  }
0x26: {  	_ =	swait.ge @!p0 [sflag:s0], s1  }
0x27: {  	s1 =	ssub.s32 @!p0 $0x0, s1;
	[sflag:s0] =	ssyncset.done @!p0 $0x0  }
0x28: {  	[sflag:s0] =	ssyncadd.s32 @!p0 s1  }
0x29: {  	[bflag:$0x3] =	sbarrier.arrive $0xFFFF  }
0x2a: {  	_ =	shalt  }

</sc_bundles>
